<compile_context>
chip_gen: v7x
topology: tpu7x:2x2x1
jax: 0.10.2.dev20260603
libtpu: 0.0.44.dev20260713+nightly
codegen_flags: <defaults>
</compile_context>

<pallas_src>
import functools

import jax
import jax.numpy as jnp
from jax import lax
from jax.experimental import pallas as pl
from jax.experimental.pallas import tpu as pltpu
from jax.experimental.pallas import tpu_sc as plsc

N = 10000
E = 320000
D = 128

NCORES = 2
NW = NCORES * 16
K = 128
NPAD = 10240
NCHUNK = 79
EW = NCHUNK * K
EPAD = NW * EW
RPS = NPAD // 16

_f32 = jnp.float32
_i32 = jnp.int32


def _agg_body(with_cnt, table, srcp, dstp, zrows, zflat, *refs):
    if with_cnt:
        out_acc, out_cnt, idx_v, dst_v, rows_v, cnt_v, acc_sh, gsem = refs
    else:
        out_acc, idx_v, dst_v, rows_v, acc_sh, gsem = refs
    c = lax.axis_index("c")
    s = lax.axis_index("s")
    wid = c * 16 + s
    r0 = s * RPS

    pltpu.sync_copy(zrows.at[pl.ds(0, K)], rows_v)
    if with_cnt:
        pltpu.sync_copy(zflat.at[pl.ds(0, NPAD)], cnt_v)

    def zstep(t, carry):
        rr = r0 + t * K
        pltpu.sync_copy(rows_v, acc_sh.at[pl.ds(rr, K)])
        return carry

    lax.fori_loop(0, RPS // K, zstep, 0)
    plsc.subcore_barrier()

    base = wid * EW
    ones16 = jnp.ones((16,), _f32)

    def step(j, carry):
        o = base + j * K
        pltpu.sync_copy(srcp.at[pl.ds(o, K)], idx_v)
        pltpu.sync_copy(dstp.at[pl.ds(o, K)], dst_v)
        pltpu.async_copy(table.at[idx_v], rows_v, gsem).wait()
        pltpu.sync_copy(rows_v, acc_sh.at[dst_v], add=True)
        if with_cnt:
            for v in range(K // 16):
                idx16 = dst_v[pl.ds(v * 16, 16)]
                plsc.addupdate_scatter(cnt_v, [idx16], ones16)
        return carry

    lax.fori_loop(0, NCHUNK, step, 0)
    plsc.subcore_barrier()

    def wstep(t, carry):
        rr = r0 + t * K
        pltpu.sync_copy(acc_sh.at[pl.ds(rr, K)], rows_v)
        pltpu.sync_copy(rows_v, out_acc.at[pl.ds(c * NPAD + rr, K)])
        return carry

    lax.fori_loop(0, RPS // K, wstep, 0)
    if with_cnt:
        pltpu.sync_copy(cnt_v, out_cnt.at[pl.ds(wid * NPAD, NPAD)])


def _sc_aggregate(table, srcp, dstp, with_cnt):
    mesh = plsc.VectorSubcoreMesh(core_axis_name="c", subcore_axis_name="s",
                                  num_cores=NCORES)
    zrows = jnp.zeros((NPAD, D), _f32)
    zflat = jnp.zeros((NPAD,), _f32)
    if with_cnt:
        out_type = (jax.ShapeDtypeStruct((NCORES * NPAD, D), _f32),
                    jax.ShapeDtypeStruct((NW * NPAD,), _f32))
        scratch = [
            pltpu.VMEM((K,), _i32),
            pltpu.VMEM((K,), _i32),
            pltpu.VMEM((K, D), _f32),
            pltpu.VMEM((NPAD,), _f32),
            pltpu.VMEM_SHARED((NPAD, D), _f32),
            pltpu.SemaphoreType.DMA,
        ]
    else:
        out_type = jax.ShapeDtypeStruct((NCORES * NPAD, D), _f32)
        scratch = [
            pltpu.VMEM((K,), _i32),
            pltpu.VMEM((K,), _i32),
            pltpu.VMEM((K, D), _f32),
            pltpu.VMEM_SHARED((NPAD, D), _f32),
            pltpu.SemaphoreType.DMA,
        ]
    kfn = pl.kernel(
        functools.partial(_agg_body, with_cnt),
        out_type=out_type,
        mesh=mesh,
        scratch_types=scratch,
        compiler_params=pltpu.CompilerParams(needs_layout_passes=False),
    )
    return kfn(table, srcp, dstp, zrows, zflat)


RB = 1024
NG = NPAD // RB


def _layer1_body(acc_ref, cnt_ref, x_ref, wl_ref, bl_ref, wr_ref,
                 h1_ref, invc_ref):
    cnt = jnp.sum(cnt_ref[...], axis=0)[:, None]
    acc = acc_ref[0]
    for q in range(1, NCORES):
        acc = acc + acc_ref[q]
    invc = 1.0 / jnp.maximum(cnt, 1.0)
    mean = acc * invc
    h1 = (jnp.dot(mean, wl_ref[...], preferred_element_type=_f32)
          + bl_ref[...]
          + jnp.dot(x_ref[...], wr_ref[...], preferred_element_type=_f32))
    h1_ref[...] = jnp.maximum(h1, 0.0)
    invc_ref[...] = jnp.broadcast_to(invc, (RB, 16))


def _tc_layer1(acc, cnt, xp, WlT, bl, WrT):
    return pl.pallas_call(
        _layer1_body,
        grid=(NG,),
        in_specs=[
            pl.BlockSpec((NCORES, RB, D), lambda i: (0, i, 0)),
            pl.BlockSpec((NW, RB), lambda i: (0, i)),
            pl.BlockSpec((RB, D), lambda i: (i, 0)),
            pl.BlockSpec((D, D), lambda i: (0, 0)),
            pl.BlockSpec((1, D), lambda i: (0, 0)),
            pl.BlockSpec((D, D), lambda i: (0, 0)),
        ],
        out_specs=[
            pl.BlockSpec((RB, D), lambda i: (i, 0)),
            pl.BlockSpec((RB, 16), lambda i: (i, 0)),
        ],
        out_shape=[
            jax.ShapeDtypeStruct((NPAD, D), _f32),
            jax.ShapeDtypeStruct((NPAD, 16), _f32),
        ],
    )(acc, cnt, xp, WlT, bl, WrT)


def _layer2_body(acc_ref, invc_ref, h1_ref, wl_ref, bl_ref, wr_ref,
                 wdec_ref, wpos_ref, wneg_ref, h_ref, loss_ref, acc_smem):
    i = pl.program_id(0)

    @pl.when(i == 0)
    def _init():
        acc_smem[0] = 0.0
        acc_smem[1] = 0.0
        acc_smem[2] = 0.0
        acc_smem[3] = 0.0

    acc = acc_ref[0]
    for q in range(1, NCORES):
        acc = acc + acc_ref[q]
    mean = acc * invc_ref[:, :1]
    h = (jnp.dot(mean, wl_ref[...], preferred_element_type=_f32)
         + bl_ref[...]
         + jnp.dot(h1_ref[...], wr_ref[...], preferred_element_type=_f32))
    h_ref[...] = h
    dx = jnp.dot(h, wdec_ref[...], preferred_element_type=_f32)
    sp = jnp.logaddexp(0.0, dx)
    wp = wpos_ref[:, :1]
    wn = wneg_ref[:, :1]
    acc_smem[0] += jnp.sum(sp * wn)
    acc_smem[1] += jnp.sum((sp - dx) * wp)
    acc_smem[2] += jnp.sum(wp)
    acc_smem[3] += jnp.sum(wn)

    @pl.when(i == NG - 1)
    def _fin():
        d = jnp.float32(D)
        loss_ref[0, 0] = (acc_smem[0] / (acc_smem[3] * d)
                          + acc_smem[1] / (acc_smem[2] * d))


def _tc_layer2(acc, invc, h1p, WlT, bl, WrT, Wdec, wpos, wneg):
    return pl.pallas_call(
        _layer2_body,
        grid=(NG,),
        in_specs=[
            pl.BlockSpec((NCORES, RB, D), lambda i: (0, i, 0)),
            pl.BlockSpec((RB, 16), lambda i: (i, 0)),
            pl.BlockSpec((RB, D), lambda i: (i, 0)),
            pl.BlockSpec((D, D), lambda i: (0, 0)),
            pl.BlockSpec((1, D), lambda i: (0, 0)),
            pl.BlockSpec((D, D), lambda i: (0, 0)),
            pl.BlockSpec((D, D), lambda i: (0, 0)),
            pl.BlockSpec((RB, 16), lambda i: (i, 0)),
            pl.BlockSpec((RB, 16), lambda i: (i, 0)),
        ],
        out_specs=[
            pl.BlockSpec((RB, D), lambda i: (i, 0)),
            pl.BlockSpec((1, 1), lambda i: (0, 0), memory_space=pltpu.SMEM),
        ],
        out_shape=[
            jax.ShapeDtypeStruct((NPAD, D), _f32),
            jax.ShapeDtypeStruct((1, 1), _f32),
        ],
        scratch_shapes=[pltpu.SMEM((4,), _f32)],
    )(acc, invc, h1p, WlT, bl, WrT, Wdec, wpos, wneg)


def kernel(x, xedge, y, pretrain, Wl1, bl1, Wr1, Wl2, bl2, Wr2, Wdec):
    src = xedge[0].astype(_i32)
    dst = xedge[1].astype(_i32)
    srcp = jnp.concatenate([src, jnp.zeros((EPAD - E,), _i32)])
    dstp = jnp.concatenate([dst, jnp.full((EPAD - E,), N, _i32)])
    xp = jnp.pad(x, ((0, NPAD - N), (0, 0)))

    acc1, cntf = _sc_aggregate(xp, srcp, dstp, with_cnt=True)
    acc1 = acc1.reshape(NCORES, NPAD, D)
    cnt1 = cntf.reshape(NW, NPAD)
    h1p, invc = _tc_layer1(acc1, cnt1, xp, Wl1.T, bl1.reshape(1, D), Wr1.T)
    acc2 = _sc_aggregate(h1p, srcp, dstp,
                         with_cnt=False).reshape(NCORES, NPAD, D)

    yf = y.astype(_f32)
    wpos = jnp.pad(yf, (0, NPAD - N)).reshape(NPAD, 1)
    wneg = jnp.pad(1.0 - yf, (0, NPAD - N)).reshape(NPAD, 1)
    wpos = jnp.broadcast_to(wpos, (NPAD, 16))
    wneg = jnp.broadcast_to(wneg, (NPAD, 16))

    h_full, loss = _tc_layer2(acc2, invc, h1p, Wl2.T, bl2.reshape(1, D),
                              Wr2.T, Wdec, wpos, wneg)
    return (loss[0, 0], h_full[:N])

# --- scband reference (transcript-rebuilt; emitter-appended) ---
"""Pipeline reference for scband-adder-40810779246748 (READ-ONLY COPY).

The authoritative reference and input builder live on the scoring server;
editing this copy changes nothing except your own understanding.
"""

import jax, jax.numpy as jnp
import numpy as np

N = 10000
E = 320000
D_IN = 128
D_H = 128


def _bce_with_logits(z, t):
    # matches torch.nn.BCEWithLogitsLoss (mean reduction)
    return jnp.mean(jnp.logaddexp(0.0, z) - z * t)


def _sage_conv(x, edge_index, Wl, bl, Wr):
    # PyG SAGEConv with mean aggregation:
    # out = lin_l(mean_{j in N(i)} x_j) + lin_r(x_i)
    src = edge_index[0]
    dst = edge_index[1]
    msg = x[src]  # gather [E, d]
    agg = jax.ops.segment_sum(msg, dst, num_segments=x.shape[0])
    cnt = jax.ops.segment_sum(jnp.ones((src.shape[0],), x.dtype), dst, num_segments=x.shape[0])
    mean = agg / jnp.clip(cnt, 1.0, None)[:, None]
    return mean @ Wl.T + bl + x @ Wr.T


def setup_inputs(seed: int = 0) -> dict:
    key = jax.random.key(seed)
    ks = jax.random.split(key, 12)
    x = jax.random.normal(ks[0], (N, D_IN), dtype=jnp.float32)
    xedge = jax.random.randint(ks[1], (2, E), 0, N, dtype=jnp.int64)
    y = jax.random.randint(ks[2], (N,), 0, 2).astype(bool)
    s1 = 1.0 / np.sqrt(D_IN)
    s2 = 1.0 / np.sqrt(D_H)
    Wl1 = jax.random.uniform(ks[3], (D_H, D_IN), jnp.float32, -s1, s1)
    bl1 = jax.random.uniform(ks[4], (D_H,), jnp.float32, -s1, s1)
    Wr1 = jax.random.uniform(ks[5], (D_H, D_IN), jnp.float32, -s1, s1)
    Wl2 = jax.random.uniform(ks[6], (D_H, D_H), jnp.float32, -s2, s2)
    bl2 = jax.random.uniform(ks[7], (D_H,), jnp.float32, -s2, s2)
    Wr2 = jax.random.uniform(ks[8], (D_H, D_H), jnp.float32, -s2, s2)
    Wdec = jax.random.uniform(ks[9], (D_H, D_H), jnp.float32, -s2, s2)
    return {"x": x, "xedge": xedge, "y": y, "pretrain": 0,
            "Wl1": Wl1, "bl1": bl1, "Wr1": Wr1,
            "Wl2": Wl2, "bl2": bl2, "Wr2": Wr2, "Wdec": Wdec}


def reference(x, xedge, y, pretrain, Wl1, bl1, Wr1, Wl2, bl2, Wr2, Wdec):
    # pretrain == 0 -> else branch of ADDer.forward
    h = _sage_conv(x, xedge, Wl1, bl1, Wr1)
    h = jax.nn.relu(h)
    # F.dropout treated as identity (deterministic reference)
    h = _sage_conv(h, xedge, Wl2, bl2, Wr2)
    dx = h @ Wdec  # Decoder: matmul(x, weight)
    softplus = jnp.logaddexp(0.0, dx)
    d = dx.shape[1]
    n_pos = jnp.sum(y, dtype=dx.dtype)
    n_neg = jnp.asarray(y.shape[0], dx.dtype) - n_pos
    # mean(logaddexp(0, z) - z * 0.0) over rows where ~y
    l1 = jnp.sum(jnp.where(y[:, None], 0.0, softplus - dx * 0.0)) / (n_neg * d)
    # mean(logaddexp(0, z) - z * 1.0) over rows where y
    l2 = jnp.sum(jnp.where(y[:, None], softplus - dx, 0.0)) / (n_pos * d)
    loss = l1 + l2 + jnp.asarray(pretrain, dx.dtype) * 0.0
    return (loss, h)

if __name__ == "__main__":
    import jax
    _d = setup_inputs()
    print(jax.jit(kernel)(*tuple(_d.values())))

</pallas_src>

<mosaic_0001>
#map = affine_map<(d0, d1) -> (0, 0)>
#map1 = affine_map<(d0, d1) -> (0)>
module attributes {stable_mosaic.version = 14 : i64} {
  func.func @_agg_body(%arg0: i32, %arg1: i32, %arg2: memref<10240x128xf32, #tpu.memory_space<hbm>>, %arg3: memref<323584xi32, #tpu.memory_space<hbm>>, %arg4: memref<323584xi32, #tpu.memory_space<hbm>>, %arg5: memref<10240x128xf32, #tpu.memory_space<hbm>>, %arg6: memref<10240xf32, #tpu.memory_space<hbm>>, %arg7: memref<20480x128xf32, #tpu.memory_space<hbm>>, %arg8: memref<327680xf32, #tpu.memory_space<hbm>>, %arg9: memref<128xi32, #tpu.memory_space<vmem>>, %arg10: memref<128xi32, #tpu.memory_space<vmem>>, %arg11: memref<128x128xf32, #tpu.memory_space<vmem>>, %arg12: memref<10240xf32, #tpu.memory_space<vmem>>, %arg13: memref<10240x128xf32, #tpu.memory_space<vmem_shared>>, %arg14: memref<!tpu.dma_semaphore, #tpu.memory_space<semaphore_mem>>) attributes {dimension_semantics = [#tpu.dimension_semantics<core_parallel>, #tpu.dimension_semantics<subcore_parallel>], iteration_bounds = array<i64: 2, 16>, scalar_prefetch = 0 : i64, scratch_operands = 6 : i64, tpu.core_type = #tpu.core_type<sc_vector_subcore>, window_params = [{transform_indices = #map}, {transform_indices = #map1}, {transform_indices = #map1}, {transform_indices = #map}, {transform_indices = #map1}, {transform_indices = #map}, {transform_indices = #map1}]} {
    %mul3A = arith.constant 16 : i32
    %mul3A_0 = arith.muli %arg0, %mul3A : i32
    %add3A = arith.addi %mul3A_0, %arg1 : i32
    %mul3A_1 = arith.constant 640 : i32
    %mul3A_2 = arith.muli %arg1, %mul3A_1 : i32
    "tpu.region"() ({
      %run_scoped3A = tpu.sem_alloc : memref<!tpu.dma_semaphore, #tpu.memory_space<semaphore_mem>>
      %dma_start3A = arith.constant 0 : i32
      %dma_start3A_26 = arith.constant 0 : i32
      %dma_start3A_27 = tpu.memref_slice %arg5[%dma_start3A, %dma_start3A_26] : memref<10240x128xf32, #tpu.memory_space<hbm>> -> memref<128x128xf32, #tpu.memory_space<hbm>>
      %dma_start3A_28 = arith.constant 0 : i32
      %dma_start3A_29 = arith.constant 0 : i32
      %dma_start3A_30 = tpu.memref_slice %arg5[%dma_start3A_28, %dma_start3A_29] : memref<10240x128xf32, #tpu.memory_space<hbm>> -> memref<128x128xf32, #tpu.memory_space<hbm>>
      tpu.enqueue_dma source(%dma_start3A_30 : memref<128x128xf32, #tpu.memory_space<hbm>>) target(%arg11 : memref<128x128xf32, #tpu.memory_space<vmem>>) target_semaphore(%run_scoped3A : memref<!tpu.dma_semaphore, #tpu.memory_space<semaphore_mem>>)
      %dma_wait3A = arith.constant 0 : i32
      %dma_wait3A_31 = arith.constant 0 : i32
      %dma_wait3A_32 = tpu.memref_slice %arg5[%dma_wait3A, %dma_wait3A_31] : memref<10240x128xf32, #tpu.memory_space<hbm>> -> memref<128x128xf32, #tpu.memory_space<hbm>>
      %dma_wait3A_33 = arith.constant 0 : i32
      %dma_wait3A_34 = arith.constant 0 : i32
      %dma_wait3A_35 = tpu.memref_slice %arg5[%dma_wait3A_33, %dma_wait3A_34] : memref<10240x128xf32, #tpu.memory_space<hbm>> -> memref<128x128xf32, #tpu.memory_space<hbm>>
      tpu.wait_dma2 semaphore(%run_scoped3A : memref<!tpu.dma_semaphore, #tpu.memory_space<semaphore_mem>>) src(%dma_wait3A_35 : memref<128x128xf32, #tpu.memory_space<hbm>>) dst(%arg11 : memref<128x128xf32, #tpu.memory_space<vmem>>)
      tpu.yield
    }) : () -> ()
    "tpu.region"() ({
      %run_scoped3A = tpu.sem_alloc : memref<!tpu.dma_semaphore, #tpu.memory_space<semaphore_mem>>
      %dma_start3A = arith.constant 0 : i32
      %dma_start3A_26 = tpu.memref_slice %arg6[%dma_start3A] : memref<10240xf32, #tpu.memory_space<hbm>> -> memref<10240xf32, #tpu.memory_space<hbm>>
      %dma_start3A_27 = arith.constant 0 : i32
      %dma_start3A_28 = tpu.memref_slice %arg6[%dma_start3A_27] : memref<10240xf32, #tpu.memory_space<hbm>> -> memref<10240xf32, #tpu.memory_space<hbm>>
      tpu.enqueue_dma source(%dma_start3A_28 : memref<10240xf32, #tpu.memory_space<hbm>>) target(%arg12 : memref<10240xf32, #tpu.memory_space<vmem>>) target_semaphore(%run_scoped3A : memref<!tpu.dma_semaphore, #tpu.memory_space<semaphore_mem>>)
      %dma_wait3A = arith.constant 0 : i32
      %dma_wait3A_29 = tpu.memref_slice %arg6[%dma_wait3A] : memref<10240xf32, #tpu.memory_space<hbm>> -> memref<10240xf32, #tpu.memory_space<hbm>>
      %dma_wait3A_30 = arith.constant 0 : i32
      %dma_wait3A_31 = tpu.memref_slice %arg6[%dma_wait3A_30] : memref<10240xf32, #tpu.memory_space<hbm>> -> memref<10240xf32, #tpu.memory_space<hbm>>
      tpu.wait_dma2 semaphore(%run_scoped3A : memref<!tpu.dma_semaphore, #tpu.memory_space<semaphore_mem>>) src(%dma_wait3A_31 : memref<10240xf32, #tpu.memory_space<hbm>>) dst(%arg12 : memref<10240xf32, #tpu.memory_space<vmem>>)
      tpu.yield
    }) : () -> ()
    %scan3A = arith.constant 0 : i32
    %scan3A_3 = arith.constant 0 : i32
    %scan3A_4 = arith.constant 5 : i32
    %scan3A_5 = arith.addi %scan3A_3, %scan3A_4 : i32
    %scan3A_6 = arith.constant 1 : i32
    scf.for %scan3A_26 = %scan3A_3 to %scan3A_5 step %scan3A_6  : i32 {
      %mul3A_27 = arith.constant 128 : i32
      %mul3A_28 = arith.muli %scan3A_26, %mul3A_27 : i32
      %add3A_29 = arith.addi %mul3A_2, %mul3A_28 : i32
      "tpu.region"() ({
        %run_scoped3A = tpu.sem_alloc : memref<!tpu.dma_semaphore, #tpu.memory_space<semaphore_mem>>
        %dma_start3A = arith.constant 0 : i32
        %dma_start3A_30 = tpu.memref_slice %arg13[%add3A_29, %dma_start3A] : memref<10240x128xf32, #tpu.memory_space<vmem_shared>> -> memref<128x128xf32, #tpu.memory_space<vmem_shared>>
        %dma_start3A_31 = arith.constant 0 : i32
        %dma_start3A_32 = tpu.memref_slice %arg13[%add3A_29, %dma_start3A_31] : memref<10240x128xf32, #tpu.memory_space<vmem_shared>> -> memref<128x128xf32, #tpu.memory_space<vmem_shared>>
        tpu.enqueue_dma source(%arg11 : memref<128x128xf32, #tpu.memory_space<vmem>>) target(%dma_start3A_32 : memref<128x128xf32, #tpu.memory_space<vmem_shared>>) target_semaphore(%run_scoped3A : memref<!tpu.dma_semaphore, #tpu.memory_space<semaphore_mem>>)
        %dma_wait3A = arith.constant 0 : i32
        %dma_wait3A_33 = tpu.memref_slice %arg13[%add3A_29, %dma_wait3A] : memref<10240x128xf32, #tpu.memory_space<vmem_shared>> -> memref<128x128xf32, #tpu.memory_space<vmem_shared>>
        %dma_wait3A_34 = arith.constant 0 : i32
        %dma_wait3A_35 = tpu.memref_slice %arg13[%add3A_29, %dma_wait3A_34] : memref<10240x128xf32, #tpu.memory_space<vmem_shared>> -> memref<128x128xf32, #tpu.memory_space<vmem_shared>>
        tpu.wait_dma2 semaphore(%run_scoped3A : memref<!tpu.dma_semaphore, #tpu.memory_space<semaphore_mem>>) src(%arg11 : memref<128x128xf32, #tpu.memory_space<vmem>>) dst(%dma_wait3A_35 : memref<128x128xf32, #tpu.memory_space<vmem_shared>>)
        tpu.yield
      }) : () -> ()
    }
    %scan3A_7 = arith.constant 5 : i32
    %barrier3A = arith.constant 0 : index
    tpu.barrier barrier_id(%barrier3A)
    %mul3A_8 = arith.constant 10112 : i32
    %mul3A_9 = arith.muli %add3A, %mul3A_8 : i32
    %broadcast_in_dim3A = arith.constant 1.000000e+00 : f32
    %broadcast_in_dim3A_10 = vector.broadcast %broadcast_in_dim3A : f32 to vector<16xf32>
    %scan3A_11 = arith.constant 0 : i32
    %scan3A_12 = arith.constant 0 : i32
    %scan3A_13 = arith.constant 79 : i32
    %scan3A_14 = arith.addi %scan3A_12, %scan3A_13 : i32
    %scan3A_15 = arith.constant 1 : i32
    scf.for %scan3A_26 = %scan3A_12 to %scan3A_14 step %scan3A_15  : i32 {
      %mul3A_27 = arith.constant 128 : i32
      %mul3A_28 = arith.muli %scan3A_26, %mul3A_27 : i32
      %add3A_29 = arith.addi %mul3A_9, %mul3A_28 : i32
      "tpu.region"() ({
        %run_scoped3A = tpu.sem_alloc : memref<!tpu.dma_semaphore, #tpu.memory_space<semaphore_mem>>
        %dma_start3A_49 = tpu.memref_slice %arg3[%add3A_29] : memref<323584xi32, #tpu.memory_space<hbm>> -> memref<128xi32, #tpu.memory_space<hbm>>
        %dma_start3A_50 = tpu.memref_slice %arg3[%add3A_29] : memref<323584xi32, #tpu.memory_space<hbm>> -> memref<128xi32, #tpu.memory_space<hbm>>
        tpu.enqueue_dma source(%dma_start3A_50 : memref<128xi32, #tpu.memory_space<hbm>>) target(%arg9 : memref<128xi32, #tpu.memory_space<vmem>>) target_semaphore(%run_scoped3A : memref<!tpu.dma_semaphore, #tpu.memory_space<semaphore_mem>>)
        %dma_wait3A_51 = tpu.memref_slice %arg3[%add3A_29] : memref<323584xi32, #tpu.memory_space<hbm>> -> memref<128xi32, #tpu.memory_space<hbm>>
        %dma_wait3A_52 = tpu.memref_slice %arg3[%add3A_29] : memref<323584xi32, #tpu.memory_space<hbm>> -> memref<128xi32, #tpu.memory_space<hbm>>
        tpu.wait_dma2 semaphore(%run_scoped3A : memref<!tpu.dma_semaphore, #tpu.memory_space<semaphore_mem>>) src(%dma_wait3A_52 : memref<128xi32, #tpu.memory_space<hbm>>) dst(%arg9 : memref<128xi32, #tpu.memory_space<vmem>>)
        tpu.yield
      }) : () -> ()
      "tpu.region"() ({
        %run_scoped3A = tpu.sem_alloc : memref<!tpu.dma_semaphore, #tpu.memory_space<semaphore_mem>>
        %dma_start3A_49 = tpu.memref_slice %arg4[%add3A_29] : memref<323584xi32, #tpu.memory_space<hbm>> -> memref<128xi32, #tpu.memory_space<hbm>>
        %dma_start3A_50 = tpu.memref_slice %arg4[%add3A_29] : memref<323584xi32, #tpu.memory_space<hbm>> -> memref<128xi32, #tpu.memory_space<hbm>>
        tpu.enqueue_dma source(%dma_start3A_50 : memref<128xi32, #tpu.memory_space<hbm>>) target(%arg10 : memref<128xi32, #tpu.memory_space<vmem>>) target_semaphore(%run_scoped3A : memref<!tpu.dma_semaphore, #tpu.memory_space<semaphore_mem>>)
        %dma_wait3A_51 = tpu.memref_slice %arg4[%add3A_29] : memref<323584xi32, #tpu.memory_space<hbm>> -> memref<128xi32, #tpu.memory_space<hbm>>
        %dma_wait3A_52 = tpu.memref_slice %arg4[%add3A_29] : memref<323584xi32, #tpu.memory_space<hbm>> -> memref<128xi32, #tpu.memory_space<hbm>>
        tpu.wait_dma2 semaphore(%run_scoped3A : memref<!tpu.dma_semaphore, #tpu.memory_space<semaphore_mem>>) src(%dma_wait3A_52 : memref<128xi32, #tpu.memory_space<hbm>>) dst(%arg10 : memref<128xi32, #tpu.memory_space<vmem>>)
        tpu.yield
      }) : () -> ()
      %dma_start3A = arith.constant 0 : i32
      %dma_start3A_30 = arith.constant 0 : i32
      %dma_start3A_31 = tpu.memref_slice %arg2[%dma_start3A, %dma_start3A_30] : memref<10240x128xf32, #tpu.memory_space<hbm>> -> memref<10240x128xf32, #tpu.memory_space<hbm>>
      tpu.enqueue_indirect_dma source(%dma_start3A_31 : memref<10240x128xf32, #tpu.memory_space<hbm>>) target(%arg11 : memref<128x128xf32, #tpu.memory_space<vmem>>) offsets(%arg9 : memref<128xi32, #tpu.memory_space<vmem>>) semaphore(%arg14 : memref<!tpu.dma_semaphore, #tpu.memory_space<semaphore_mem>>)
      %dma_wait3A = arith.constant 0 : i32
      %dma_wait3A_32 = arith.constant 0 : i32
      %dma_wait3A_33 = tpu.memref_slice %arg2[%dma_wait3A, %dma_wait3A_32] : memref<10240x128xf32, #tpu.memory_space<hbm>> -> memref<10240x128xf32, #tpu.memory_space<hbm>>
      tpu.wait_indirect_dma semaphore(%arg14 : memref<!tpu.dma_semaphore, #tpu.memory_space<semaphore_mem>>) src(%dma_wait3A_33 : memref<10240x128xf32, #tpu.memory_space<hbm>>) dst(%arg11 : memref<128x128xf32, #tpu.memory_space<vmem>>)
      "tpu.region"() ({
        %run_scoped3A = tpu.sem_alloc : memref<!tpu.dma_semaphore, #tpu.memory_space<semaphore_mem>>
        %dma_start3A_49 = arith.constant 0 : i32
        %dma_start3A_50 = arith.constant 0 : i32
        %dma_start3A_51 = tpu.memref_slice %arg13[%dma_start3A_49, %dma_start3A_50] : memref<10240x128xf32, #tpu.memory_space<vmem_shared>> -> memref<10240x128xf32, #tpu.memory_space<vmem_shared>>
        tpu.enqueue_indirect_dma source(%arg11 : memref<128x128xf32, #tpu.memory_space<vmem>>) target(%dma_start3A_51 : memref<10240x128xf32, #tpu.memory_space<vmem_shared>>) offsets(%arg10 : memref<128xi32, #tpu.memory_space<vmem>>) semaphore(%run_scoped3A : memref<!tpu.dma_semaphore, #tpu.memory_space<semaphore_mem>>) {add = true}
        %dma_wait3A_52 = arith.constant 0 : i32
        %dma_wait3A_53 = arith.constant 0 : i32
        %dma_wait3A_54 = tpu.memref_slice %arg13[%dma_wait3A_52, %dma_wait3A_53] : memref<10240x128xf32, #tpu.memory_space<vmem_shared>> -> memref<10240x128xf32, #tpu.memory_space<vmem_shared>>
        tpu.wait_indirect_dma semaphore(%run_scoped3A : memref<!tpu.dma_semaphore, #tpu.memory_space<semaphore_mem>>) src(%arg11 : memref<128x128xf32, #tpu.memory_space<vmem>>) dst(%dma_wait3A_54 : memref<10240x128xf32, #tpu.memory_space<vmem_shared>>)
        tpu.yield
      }) : () -> ()
      %get3A = arith.constant 0 : index
      %get3A_34 = tpu.vector_load %arg10[%get3A] {strides = array<i32>} : memref<128xi32, #tpu.memory_space<vmem>>, vector<16xi32>,
      tpu.vector_store_idx %arg12[%get3A_34], %broadcast_in_dim3A_10 {add = true} : memref<10240xf32, #tpu.memory_space<vmem>>[vector<16xi32>], vector<16xf32>,
      %get3A_35 = arith.constant 16 : index
      %get3A_36 = tpu.vector_load %arg10[%get3A_35] {strides = array<i32>} : memref<128xi32, #tpu.memory_space<vmem>>, vector<16xi32>,
      tpu.vector_store_idx %arg12[%get3A_36], %broadcast_in_dim3A_10 {add = true} : memref<10240xf32, #tpu.memory_space<vmem>>[vector<16xi32>], vector<16xf32>,
      %get3A_37 = arith.constant 32 : index
      %get3A_38 = tpu.vector_load %arg10[%get3A_37] {strides = array<i32>} : memref<128xi32, #tpu.memory_space<vmem>>, vector<16xi32>,
      tpu.vector_store_idx %arg12[%get3A_38], %broadcast_in_dim3A_10 {add = true} : memref<10240xf32, #tpu.memory_space<vmem>>[vector<16xi32>], vector<16xf32>,
      %get3A_39 = arith.constant 48 : index
      %get3A_40 = tpu.vector_load %arg10[%get3A_39] {strides = array<i32>} : memref<128xi32, #tpu.memory_space<vmem>>, vector<16xi32>,
      tpu.vector_store_idx %arg12[%get3A_40], %broadcast_in_dim3A_10 {add = true} : memref<10240xf32, #tpu.memory_space<vmem>>[vector<16xi32>], vector<16xf32>,
      %get3A_41 = arith.constant 64 : index
      %get3A_42 = tpu.vector_load %arg10[%get3A_41] {strides = array<i32>} : memref<128xi32, #tpu.memory_space<vmem>>, vector<16xi32>,
      tpu.vector_store_idx %arg12[%get3A_42], %broadcast_in_dim3A_10 {add = true} : memref<10240xf32, #tpu.memory_space<vmem>>[vector<16xi32>], vector<16xf32>,
      %get3A_43 = arith.constant 80 : index
      %get3A_44 = tpu.vector_load %arg10[%get3A_43] {strides = array<i32>} : memref<128xi32, #tpu.memory_space<vmem>>, vector<16xi32>,
      tpu.vector_store_idx %arg12[%get3A_44], %broadcast_in_dim3A_10 {add = true} : memref<10240xf32, #tpu.memory_space<vmem>>[vector<16xi32>], vector<16xf32>,
      %get3A_45 = arith.constant 96 : index
      %get3A_46 = tpu.vector_load %arg10[%get3A_45] {strides = array<i32>} : memref<128xi32, #tpu.memory_space<vmem>>, vector<16xi32>,
      tpu.vector_store_idx %arg12[%get3A_46], %broadcast_in_dim3A_10 {add = true} : memref<10240xf32, #tpu.memory_space<vmem>>[vector<16xi32>], vector<16xf32>,
      %get3A_47 = arith.constant 112 : index
      %get3A_48 = tpu.vector_load %arg10[%get3A_47] {strides = array<i32>} : memref<128xi32, #tpu.memory_space<vmem>>, vector<16xi32>,
      tpu.vector_store_idx %arg12[%get3A_48], %broadcast_in_dim3A_10 {add = true} : memref<10240xf32, #tpu.memory_space<vmem>>[vector<16xi32>], vector<16xf32>,
    }
    %scan3A_16 = arith.constant 79 : i32
    %barrier3A_17 = arith.constant 0 : index
    tpu.barrier barrier_id(%barrier3A_17)
    %scan3A_18 = arith.constant 0 : i32
    %scan3A_19 = arith.constant 0 : i32
    %scan3A_20 = arith.constant 5 : i32
    %scan3A_21 = arith.addi %scan3A_19, %scan3A_20 : i32
    %scan3A_22 = arith.constant 1 : i32
    scf.for %scan3A_26 = %scan3A_19 to %scan3A_21 step %scan3A_22  : i32 {
      %mul3A_27 = arith.constant 128 : i32
      %mul3A_28 = arith.muli %scan3A_26, %mul3A_27 : i32
      %add3A_29 = arith.addi %mul3A_2, %mul3A_28 : i32
      "tpu.region"() ({
        %run_scoped3A = tpu.sem_alloc : memref<!tpu.dma_semaphore, #tpu.memory_space<semaphore_mem>>
        %dma_start3A = arith.constant 0 : i32
        %dma_start3A_33 = tpu.memref_slice %arg13[%add3A_29, %dma_start3A] : memref<10240x128xf32, #tpu.memory_space<vmem_shared>> -> memref<128x128xf32, #tpu.memory_space<vmem_shared>>
        %dma_start3A_34 = arith.constant 0 : i32
        %dma_start3A_35 = tpu.memref_slice %arg13[%add3A_29, %dma_start3A_34] : memref<10240x128xf32, #tpu.memory_space<vmem_shared>> -> memref<128x128xf32, #tpu.memory_space<vmem_shared>>
        tpu.enqueue_dma source(%dma_start3A_35 : memref<128x128xf32, #tpu.memory_space<vmem_shared>>) target(%arg11 : memref<128x128xf32, #tpu.memory_space<vmem>>) target_semaphore(%run_scoped3A : memref<!tpu.dma_semaphore, #tpu.memory_space<semaphore_mem>>)
        %dma_wait3A = arith.constant 0 : i32
        %dma_wait3A_36 = tpu.memref_slice %arg13[%add3A_29, %dma_wait3A] : memref<10240x128xf32, #tpu.memory_space<vmem_shared>> -> memref<128x128xf32, #tpu.memory_space<vmem_shared>>
        %dma_wait3A_37 = arith.constant 0 : i32
        %dma_wait3A_38 = tpu.memref_slice %arg13[%add3A_29, %dma_wait3A_37] : memref<10240x128xf32, #tpu.memory_space<vmem_shared>> -> memref<128x128xf32, #tpu.memory_space<vmem_shared>>
        tpu.wait_dma2 semaphore(%run_scoped3A : memref<!tpu.dma_semaphore, #tpu.memory_space<semaphore_mem>>) src(%dma_wait3A_38 : memref<128x128xf32, #tpu.memory_space<vmem_shared>>) dst(%arg11 : memref<128x128xf32, #tpu.memory_space<vmem>>)
        tpu.yield
      }) : () -> ()
      %mul3A_30 = arith.constant 10240 : i32
      %mul3A_31 = arith.muli %arg0, %mul3A_30 : i32
      %add3A_32 = arith.addi %mul3A_31, %add3A_29 : i32
      "tpu.region"() ({
        %run_scoped3A = tpu.sem_alloc : memref<!tpu.dma_semaphore, #tpu.memory_space<semaphore_mem>>
        %dma_start3A = arith.constant 0 : i32
        %dma_start3A_33 = tpu.memref_slice %arg7[%add3A_32, %dma_start3A] : memref<20480x128xf32, #tpu.memory_space<hbm>> -> memref<128x128xf32, #tpu.memory_space<hbm>>
        %dma_start3A_34 = arith.constant 0 : i32
        %dma_start3A_35 = tpu.memref_slice %arg7[%add3A_32, %dma_start3A_34] : memref<20480x128xf32, #tpu.memory_space<hbm>> -> memref<128x128xf32, #tpu.memory_space<hbm>>
        tpu.enqueue_dma source(%arg11 : memref<128x128xf32, #tpu.memory_space<vmem>>) target(%dma_start3A_35 : memref<128x128xf32, #tpu.memory_space<hbm>>) target_semaphore(%run_scoped3A : memref<!tpu.dma_semaphore, #tpu.memory_space<semaphore_mem>>)
        %dma_wait3A = arith.constant 0 : i32
        %dma_wait3A_36 = tpu.memref_slice %arg7[%add3A_32, %dma_wait3A] : memref<20480x128xf32, #tpu.memory_space<hbm>> -> memref<128x128xf32, #tpu.memory_space<hbm>>
        %dma_wait3A_37 = arith.constant 0 : i32
        %dma_wait3A_38 = tpu.memref_slice %arg7[%add3A_32, %dma_wait3A_37] : memref<20480x128xf32, #tpu.memory_space<hbm>> -> memref<128x128xf32, #tpu.memory_space<hbm>>
        tpu.wait_dma2 semaphore(%run_scoped3A : memref<!tpu.dma_semaphore, #tpu.memory_space<semaphore_mem>>) src(%arg11 : memref<128x128xf32, #tpu.memory_space<vmem>>) dst(%dma_wait3A_38 : memref<128x128xf32, #tpu.memory_space<hbm>>)
        tpu.yield
      }) : () -> ()
    }
    %scan3A_23 = arith.constant 5 : i32
    %mul3A_24 = arith.constant 10240 : i32
    %mul3A_25 = arith.muli %add3A, %mul3A_24 : i32
    "tpu.region"() ({
      %run_scoped3A = tpu.sem_alloc : memref<!tpu.dma_semaphore, #tpu.memory_space<semaphore_mem>>
      %dma_start3A = tpu.memref_slice %arg8[%mul3A_25] : memref<327680xf32, #tpu.memory_space<hbm>> -> memref<10240xf32, #tpu.memory_space<hbm>>
      %dma_start3A_26 = tpu.memref_slice %arg8[%mul3A_25] : memref<327680xf32, #tpu.memory_space<hbm>> -> memref<10240xf32, #tpu.memory_space<hbm>>
      tpu.enqueue_dma source(%arg12 : memref<10240xf32, #tpu.memory_space<vmem>>) target(%dma_start3A_26 : memref<10240xf32, #tpu.memory_space<hbm>>) target_semaphore(%run_scoped3A : memref<!tpu.dma_semaphore, #tpu.memory_space<semaphore_mem>>)
      %dma_wait3A = tpu.memref_slice %arg8[%mul3A_25] : memref<327680xf32, #tpu.memory_space<hbm>> -> memref<10240xf32, #tpu.memory_space<hbm>>
      %dma_wait3A_27 = tpu.memref_slice %arg8[%mul3A_25] : memref<327680xf32, #tpu.memory_space<hbm>> -> memref<10240xf32, #tpu.memory_space<hbm>>
      tpu.wait_dma2 semaphore(%run_scoped3A : memref<!tpu.dma_semaphore, #tpu.memory_space<semaphore_mem>>) src(%arg12 : memref<10240xf32, #tpu.memory_space<vmem>>) dst(%dma_wait3A_27 : memref<10240xf32, #tpu.memory_space<hbm>>)
      tpu.yield
    }) : () -> ()
    return
  }
}

#map = affine_map<(d0, d1) -> (0, 0)>
#map1 = affine_map<(d0, d1) -> (0)>
module attributes {stable_mosaic.version = 14 : i64} {
  func.func @_agg_body(%arg0: i32, %arg1: i32, %arg2: memref<10240x128xf32, #tpu.memory_space<hbm>>, %arg3: memref<323584xi32, #tpu.memory_space<hbm>>, %arg4: memref<323584xi32, #tpu.memory_space<hbm>>, %arg5: memref<10240x128xf32, #tpu.memory_space<hbm>>, %arg6: memref<10240xf32, #tpu.memory_space<hbm>>, %arg7: memref<20480x128xf32, #tpu.memory_space<hbm>>, %arg8: memref<128xi32, #tpu.memory_space<vmem>>, %arg9: memref<128xi32, #tpu.memory_space<vmem>>, %arg10: memref<128x128xf32, #tpu.memory_space<vmem>>, %arg11: memref<10240x128xf32, #tpu.memory_space<vmem_shared>>, %arg12: memref<!tpu.dma_semaphore, #tpu.memory_space<semaphore_mem>>) attributes {dimension_semantics = [#tpu.dimension_semantics<core_parallel>, #tpu.dimension_semantics<subcore_parallel>], iteration_bounds = array<i64: 2, 16>, scalar_prefetch = 0 : i64, scratch_operands = 5 : i64, tpu.core_type = #tpu.core_type<sc_vector_subcore>, window_params = [{transform_indices = #map}, {transform_indices = #map1}, {transform_indices = #map1}, {transform_indices = #map}, {transform_indices = #map1}, {transform_indices = #map}]} {
    %mul3A = arith.constant 16 : i32
    %mul3A_0 = arith.muli %arg0, %mul3A : i32
    %add3A = arith.addi %mul3A_0, %arg1 : i32
    %mul3A_1 = arith.constant 640 : i32
    %mul3A_2 = arith.muli %arg1, %mul3A_1 : i32
    "tpu.region"() ({
      %run_scoped3A = tpu.sem_alloc : memref<!tpu.dma_semaphore, #tpu.memory_space<semaphore_mem>>
      %dma_start3A = arith.constant 0 : i32
      %dma_start3A_24 = arith.constant 0 : i32
      %dma_start3A_25 = tpu.memref_slice %arg5[%dma_start3A, %dma_start3A_24] : memref<10240x128xf32, #tpu.memory_space<hbm>> -> memref<128x128xf32, #tpu.memory_space<hbm>>
      %dma_start3A_26 = arith.constant 0 : i32
      %dma_start3A_27 = arith.constant 0 : i32
      %dma_start3A_28 = tpu.memref_slice %arg5[%dma_start3A_26, %dma_start3A_27] : memref<10240x128xf32, #tpu.memory_space<hbm>> -> memref<128x128xf32, #tpu.memory_space<hbm>>
      tpu.enqueue_dma source(%dma_start3A_28 : memref<128x128xf32, #tpu.memory_space<hbm>>) target(%arg10 : memref<128x128xf32, #tpu.memory_space<vmem>>) target_semaphore(%run_scoped3A : memref<!tpu.dma_semaphore, #tpu.memory_space<semaphore_mem>>)
      %dma_wait3A = arith.constant 0 : i32
      %dma_wait3A_29 = arith.constant 0 : i32
      %dma_wait3A_30 = tpu.memref_slice %arg5[%dma_wait3A, %dma_wait3A_29] : memref<10240x128xf32, #tpu.memory_space<hbm>> -> memref<128x128xf32, #tpu.memory_space<hbm>>
      %dma_wait3A_31 = arith.constant 0 : i32
      %dma_wait3A_32 = arith.constant 0 : i32
      %dma_wait3A_33 = tpu.memref_slice %arg5[%dma_wait3A_31, %dma_wait3A_32] : memref<10240x128xf32, #tpu.memory_space<hbm>> -> memref<128x128xf32, #tpu.memory_space<hbm>>
      tpu.wait_dma2 semaphore(%run_scoped3A : memref<!tpu.dma_semaphore, #tpu.memory_space<semaphore_mem>>) src(%dma_wait3A_33 : memref<128x128xf32, #tpu.memory_space<hbm>>) dst(%arg10 : memref<128x128xf32, #tpu.memory_space<vmem>>)
      tpu.yield
    }) : () -> ()
    %scan3A = arith.constant 0 : i32
    %scan3A_3 = arith.constant 0 : i32
    %scan3A_4 = arith.constant 5 : i32
    %scan3A_5 = arith.addi %scan3A_3, %scan3A_4 : i32
    %scan3A_6 = arith.constant 1 : i32
    scf.for %scan3A_24 = %scan3A_3 to %scan3A_5 step %scan3A_6  : i32 {
      %mul3A_25 = arith.constant 128 : i32
      %mul3A_26 = arith.muli %scan3A_24, %mul3A_25 : i32
      %add3A_27 = arith.addi %mul3A_2, %mul3A_26 : i32
      "tpu.region"() ({
        %run_scoped3A = tpu.sem_alloc : memref<!tpu.dma_semaphore, #tpu.memory_space<semaphore_mem>>
        %dma_start3A = arith.constant 0 : i32
        %dma_start3A_28 = tpu.memref_slice %arg11[%add3A_27, %dma_start3A] : memref<10240x128xf32, #tpu.memory_space<vmem_shared>> -> memref<128x128xf32, #tpu.memory_space<vmem_shared>>
        %dma_start3A_29 = arith.constant 0 : i32
        %dma_start3A_30 = tpu.memref_slice %arg11[%add3A_27, %dma_start3A_29] : memref<10240x128xf32, #tpu.memory_space<vmem_shared>> -> memref<128x128xf32, #tpu.memory_space<vmem_shared>>
        tpu.enqueue_dma source(%arg10 : memref<128x128xf32, #tpu.memory_space<vmem>>) target(%dma_start3A_30 : memref<128x128xf32, #tpu.memory_space<vmem_shared>>) target_semaphore(%run_scoped3A : memref<!tpu.dma_semaphore, #tpu.memory_space<semaphore_mem>>)
        %dma_wait3A = arith.constant 0 : i32
        %dma_wait3A_31 = tpu.memref_slice %arg11[%add3A_27, %dma_wait3A] : memref<10240x128xf32, #tpu.memory_space<vmem_shared>> -> memref<128x128xf32, #tpu.memory_space<vmem_shared>>
        %dma_wait3A_32 = arith.constant 0 : i32
        %dma_wait3A_33 = tpu.memref_slice %arg11[%add3A_27, %dma_wait3A_32] : memref<10240x128xf32, #tpu.memory_space<vmem_shared>> -> memref<128x128xf32, #tpu.memory_space<vmem_shared>>
        tpu.wait_dma2 semaphore(%run_scoped3A : memref<!tpu.dma_semaphore, #tpu.memory_space<semaphore_mem>>) src(%arg10 : memref<128x128xf32, #tpu.memory_space<vmem>>) dst(%dma_wait3A_33 : memref<128x128xf32, #tpu.memory_space<vmem_shared>>)
        tpu.yield
      }) : () -> ()
    }
    %scan3A_7 = arith.constant 5 : i32
    %barrier3A = arith.constant 0 : index
    tpu.barrier barrier_id(%barrier3A)
    %mul3A_8 = arith.constant 10112 : i32
    %mul3A_9 = arith.muli %add3A, %mul3A_8 : i32
    %broadcast_in_dim3A = arith.constant 1.000000e+00 : f32
    %broadcast_in_dim3A_10 = vector.broadcast %broadcast_in_dim3A : f32 to vector<16xf32>
    %scan3A_11 = arith.constant 0 : i32
    %scan3A_12 = arith.constant 0 : i32
    %scan3A_13 = arith.constant 79 : i32
    %scan3A_14 = arith.addi %scan3A_12, %scan3A_13 : i32
    %scan3A_15 = arith.constant 1 : i32
    scf.for %scan3A_24 = %scan3A_12 to %scan3A_14 step %scan3A_15  : i32 {
      %mul3A_25 = arith.constant 128 : i32
      %mul3A_26 = arith.muli %scan3A_24, %mul3A_25 : i32
      %add3A_27 = arith.addi %mul3A_9, %mul3A_26 : i32
      "tpu.region"() ({
        %run_scoped3A = tpu.sem_alloc : memref<!tpu.dma_semaphore, #tpu.memory_space<semaphore_mem>>
        %dma_start3A_32 = tpu.memref_slice %arg3[%add3A_27] : memref<323584xi32, #tpu.memory_space<hbm>> -> memref<128xi32, #tpu.memory_space<hbm>>
        %dma_start3A_33 = tpu.memref_slice %arg3[%add3A_27] : memref<323584xi32, #tpu.memory_space<hbm>> -> memref<128xi32, #tpu.memory_space<hbm>>
        tpu.enqueue_dma source(%dma_start3A_33 : memref<128xi32, #tpu.memory_space<hbm>>) target(%arg8 : memref<128xi32, #tpu.memory_space<vmem>>) target_semaphore(%run_scoped3A : memref<!tpu.dma_semaphore, #tpu.memory_space<semaphore_mem>>)
        %dma_wait3A_34 = tpu.memref_slice %arg3[%add3A_27] : memref<323584xi32, #tpu.memory_space<hbm>> -> memref<128xi32, #tpu.memory_space<hbm>>
        %dma_wait3A_35 = tpu.memref_slice %arg3[%add3A_27] : memref<323584xi32, #tpu.memory_space<hbm>> -> memref<128xi32, #tpu.memory_space<hbm>>
        tpu.wait_dma2 semaphore(%run_scoped3A : memref<!tpu.dma_semaphore, #tpu.memory_space<semaphore_mem>>) src(%dma_wait3A_35 : memref<128xi32, #tpu.memory_space<hbm>>) dst(%arg8 : memref<128xi32, #tpu.memory_space<vmem>>)
        tpu.yield
      }) : () -> ()
      "tpu.region"() ({
        %run_scoped3A = tpu.sem_alloc : memref<!tpu.dma_semaphore, #tpu.memory_space<semaphore_mem>>
        %dma_start3A_32 = tpu.memref_slice %arg4[%add3A_27] : memref<323584xi32, #tpu.memory_space<hbm>> -> memref<128xi32, #tpu.memory_space<hbm>>
        %dma_start3A_33 = tpu.memref_slice %arg4[%add3A_27] : memref<323584xi32, #tpu.memory_space<hbm>> -> memref<128xi32, #tpu.memory_space<hbm>>
        tpu.enqueue_dma source(%dma_start3A_33 : memref<128xi32, #tpu.memory_space<hbm>>) target(%arg9 : memref<128xi32, #tpu.memory_space<vmem>>) target_semaphore(%run_scoped3A : memref<!tpu.dma_semaphore, #tpu.memory_space<semaphore_mem>>)
        %dma_wait3A_34 = tpu.memref_slice %arg4[%add3A_27] : memref<323584xi32, #tpu.memory_space<hbm>> -> memref<128xi32, #tpu.memory_space<hbm>>
        %dma_wait3A_35 = tpu.memref_slice %arg4[%add3A_27] : memref<323584xi32, #tpu.memory_space<hbm>> -> memref<128xi32, #tpu.memory_space<hbm>>
        tpu.wait_dma2 semaphore(%run_scoped3A : memref<!tpu.dma_semaphore, #tpu.memory_space<semaphore_mem>>) src(%dma_wait3A_35 : memref<128xi32, #tpu.memory_space<hbm>>) dst(%arg9 : memref<128xi32, #tpu.memory_space<vmem>>)
        tpu.yield
      }) : () -> ()
      %dma_start3A = arith.constant 0 : i32
      %dma_start3A_28 = arith.constant 0 : i32
      %dma_start3A_29 = tpu.memref_slice %arg2[%dma_start3A, %dma_start3A_28] : memref<10240x128xf32, #tpu.memory_space<hbm>> -> memref<10240x128xf32, #tpu.memory_space<hbm>>
      tpu.enqueue_indirect_dma source(%dma_start3A_29 : memref<10240x128xf32, #tpu.memory_space<hbm>>) target(%arg10 : memref<128x128xf32, #tpu.memory_space<vmem>>) offsets(%arg8 : memref<128xi32, #tpu.memory_space<vmem>>) semaphore(%arg12 : memref<!tpu.dma_semaphore, #tpu.memory_space<semaphore_mem>>)
      %dma_wait3A = arith.constant 0 : i32
      %dma_wait3A_30 = arith.constant 0 : i32
      %dma_wait3A_31 = tpu.memref_slice %arg2[%dma_wait3A, %dma_wait3A_30] : memref<10240x128xf32, #tpu.memory_space<hbm>> -> memref<10240x128xf32, #tpu.memory_space<hbm>>
      tpu.wait_indirect_dma semaphore(%arg12 : memref<!tpu.dma_semaphore, #tpu.memory_space<semaphore_mem>>) src(%dma_wait3A_31 : memref<10240x128xf32, #tpu.memory_space<hbm>>) dst(%arg10 : memref<128x128xf32, #tpu.memory_space<vmem>>)
      "tpu.region"() ({
        %run_scoped3A = tpu.sem_alloc : memref<!tpu.dma_semaphore, #tpu.memory_space<semaphore_mem>>
        %dma_start3A_32 = arith.constant 0 : i32
        %dma_start3A_33 = arith.constant 0 : i32
        %dma_start3A_34 = tpu.memref_slice %arg11[%dma_start3A_32, %dma_start3A_33] : memref<10240x128xf32, #tpu.memory_space<vmem_shared>> -> memref<10240x128xf32, #tpu.memory_space<vmem_shared>>
        tpu.enqueue_indirect_dma source(%arg10 : memref<128x128xf32, #tpu.memory_space<vmem>>) target(%dma_start3A_34 : memref<10240x128xf32, #tpu.memory_space<vmem_shared>>) offsets(%arg9 : memref<128xi32, #tpu.memory_space<vmem>>) semaphore(%run_scoped3A : memref<!tpu.dma_semaphore, #tpu.memory_space<semaphore_mem>>) {add = true}
        %dma_wait3A_35 = arith.constant 0 : i32
        %dma_wait3A_36 = arith.constant 0 : i32
        %dma_wait3A_37 = tpu.memref_slice %arg11[%dma_wait3A_35, %dma_wait3A_36] : memref<10240x128xf32, #tpu.memory_space<vmem_shared>> -> memref<10240x128xf32, #tpu.memory_space<vmem_shared>>
        tpu.wait_indirect_dma semaphore(%run_scoped3A : memref<!tpu.dma_semaphore, #tpu.memory_space<semaphore_mem>>) src(%arg10 : memref<128x128xf32, #tpu.memory_space<vmem>>) dst(%dma_wait3A_37 : memref<10240x128xf32, #tpu.memory_space<vmem_shared>>)
        tpu.yield
      }) : () -> ()
    }
    %scan3A_16 = arith.constant 79 : i32
    %barrier3A_17 = arith.constant 0 : index
    tpu.barrier barrier_id(%barrier3A_17)
    %scan3A_18 = arith.constant 0 : i32
    %scan3A_19 = arith.constant 0 : i32
    %scan3A_20 = arith.constant 5 : i32
    %scan3A_21 = arith.addi %scan3A_19, %scan3A_20 : i32
    %scan3A_22 = arith.constant 1 : i32
    scf.for %scan3A_24 = %scan3A_19 to %scan3A_21 step %scan3A_22  : i32 {
      %mul3A_25 = arith.constant 128 : i32
      %mul3A_26 = arith.muli %scan3A_24, %mul3A_25 : i32
      %add3A_27 = arith.addi %mul3A_2, %mul3A_26 : i32
      "tpu.region"() ({
        %run_scoped3A = tpu.sem_alloc : memref<!tpu.dma_semaphore, #tpu.memory_space<semaphore_mem>>
        %dma_start3A = arith.constant 0 : i32
        %dma_start3A_31 = tpu.memref_slice %arg11[%add3A_27, %dma_start3A] : memref<10240x128xf32, #tpu.memory_space<vmem_shared>> -> memref<128x128xf32, #tpu.memory_space<vmem_shared>>
        %dma_start3A_32 = arith.constant 0 : i32
        %dma_start3A_33 = tpu.memref_slice %arg11[%add3A_27, %dma_start3A_32] : memref<10240x128xf32, #tpu.memory_space<vmem_shared>> -> memref<128x128xf32, #tpu.memory_space<vmem_shared>>
        tpu.enqueue_dma source(%dma_start3A_33 : memref<128x128xf32, #tpu.memory_space<vmem_shared>>) target(%arg10 : memref<128x128xf32, #tpu.memory_space<vmem>>) target_semaphore(%run_scoped3A : memref<!tpu.dma_semaphore, #tpu.memory_space<semaphore_mem>>)
        %dma_wait3A = arith.constant 0 : i32
        %dma_wait3A_34 = tpu.memref_slice %arg11[%add3A_27, %dma_wait3A] : memref<10240x128xf32, #tpu.memory_space<vmem_shared>> -> memref<128x128xf32, #tpu.memory_space<vmem_shared>>
        %dma_wait3A_35 = arith.constant 0 : i32
        %dma_wait3A_36 = tpu.memref_slice %arg11[%add3A_27, %dma_wait3A_35] : memref<10240x128xf32, #tpu.memory_space<vmem_shared>> -> memref<128x128xf32, #tpu.memory_space<vmem_shared>>
        tpu.wait_dma2 semaphore(%run_scoped3A : memref<!tpu.dma_semaphore, #tpu.memory_space<semaphore_mem>>) src(%dma_wait3A_36 : memref<128x128xf32, #tpu.memory_space<vmem_shared>>) dst(%arg10 : memref<128x128xf32, #tpu.memory_space<vmem>>)
        tpu.yield
      }) : () -> ()
      %mul3A_28 = arith.constant 10240 : i32
      %mul3A_29 = arith.muli %arg0, %mul3A_28 : i32
      %add3A_30 = arith.addi %mul3A_29, %add3A_27 : i32
      "tpu.region"() ({
        %run_scoped3A = tpu.sem_alloc : memref<!tpu.dma_semaphore, #tpu.memory_space<semaphore_mem>>
        %dma_start3A = arith.constant 0 : i32
        %dma_start3A_31 = tpu.memref_slice %arg7[%add3A_30, %dma_start3A] : memref<20480x128xf32, #tpu.memory_space<hbm>> -> memref<128x128xf32, #tpu.memory_space<hbm>>
        %dma_start3A_32 = arith.constant 0 : i32
        %dma_start3A_33 = tpu.memref_slice %arg7[%add3A_30, %dma_start3A_32] : memref<20480x128xf32, #tpu.memory_space<hbm>> -> memref<128x128xf32, #tpu.memory_space<hbm>>
        tpu.enqueue_dma source(%arg10 : memref<128x128xf32, #tpu.memory_space<vmem>>) target(%dma_start3A_33 : memref<128x128xf32, #tpu.memory_space<hbm>>) target_semaphore(%run_scoped3A : memref<!tpu.dma_semaphore, #tpu.memory_space<semaphore_mem>>)
        %dma_wait3A = arith.constant 0 : i32
        %dma_wait3A_34 = tpu.memref_slice %arg7[%add3A_30, %dma_wait3A] : memref<20480x128xf32, #tpu.memory_space<hbm>> -> memref<128x128xf32, #tpu.memory_space<hbm>>
        %dma_wait3A_35 = arith.constant 0 : i32
        %dma_wait3A_36 = tpu.memref_slice %arg7[%add3A_30, %dma_wait3A_35] : memref<20480x128xf32, #tpu.memory_space<hbm>> -> memref<128x128xf32, #tpu.memory_space<hbm>>
        tpu.wait_dma2 semaphore(%run_scoped3A : memref<!tpu.dma_semaphore, #tpu.memory_space<semaphore_mem>>) src(%arg10 : memref<128x128xf32, #tpu.memory_space<vmem>>) dst(%dma_wait3A_36 : memref<128x128xf32, #tpu.memory_space<hbm>>)
        tpu.yield
      }) : () -> ()
    }
    %scan3A_23 = arith.constant 5 : i32
    return
  }
}

module attributes {stable_mosaic.version = 14 : i64} {
  func.func @_layer1_body(%arg0: i32, %arg1: memref<2x1024x128xf32, #tpu.memory_space<vmem>>, %arg2: memref<32x1024xf32, #tpu.memory_space<vmem>>, %arg3: memref<1024x128xf32, #tpu.memory_space<vmem>>, %arg4: memref<128x128xf32, #tpu.memory_space<vmem>>, %arg5: memref<1x128xf32, #tpu.memory_space<vmem>>, %arg6: memref<128x128xf32, #tpu.memory_space<vmem>>, %arg7: memref<1024x128xf32, #tpu.memory_space<vmem>>, %arg8: memref<1024x16xf32, #tpu.memory_space<vmem>>) attributes {dimension_semantics = [#tpu.dimension_semantics<arbitrary>], iteration_bounds = array<i64: 10>, scalar_prefetch = 0 : i64, scratch_operands = 0 : i64, tpu.core_type = #tpu.core_type<tc>, window_params = [{transform_indices = @transform_0, window_bounds = array<i64: 2, 1024, 128>}, {transform_indices = @transform_1, window_bounds = array<i64: 32, 1024>}, {transform_indices = @transform_2, window_bounds = array<i64: 1024, 128>}, {pipeline_mode = #tpu.pipeline_mode<synchronous>, transform_indices = @transform_3, window_bounds = array<i64: 128, 128>}, {pipeline_mode = #tpu.pipeline_mode<synchronous>, transform_indices = @transform_4, window_bounds = array<i64: 1, 128>}, {pipeline_mode = #tpu.pipeline_mode<synchronous>, transform_indices = @transform_5, window_bounds = array<i64: 128, 128>}, {transform_indices = @transform_6, window_bounds = array<i64: 1024, 128>}, {transform_indices = @transform_7, window_bounds = array<i64: 1024, 16>}]} {
    %get3A = arith.constant 0 : index
    %get3A_0 = arith.constant 0 : index
    %get3A_1 = vector.load %arg2[%get3A, %get3A_0] : memref<32x1024xf32, #tpu.memory_space<vmem>>, vector<32x1024xf32>
    %reduce_sum3A = arith.constant dense<0.000000e+00> : vector<1024xf32>
    %reduce_sum3A_2 = vector.multi_reduction <add>, %get3A_1, %reduce_sum3A [0] : vector<32x1024xf32> to vector<1024xf32>
    %broadcast_in_dim3A = vector.shape_cast %reduce_sum3A_2 : vector<1024xf32> to vector<1024x1xf32>
    %get3A_3 = arith.constant 0 : index
    %get3A_4 = arith.constant 0 : index
    %get3A_5 = arith.constant 0 : index
    %get3A_6 = vector.load %arg1[%get3A_3, %get3A_4, %get3A_5] : memref<2x1024x128xf32, #tpu.memory_space<vmem>>, vector<1x1024x128xf32>
    %get3A_7 = vector.shape_cast %get3A_6 : vector<1x1024x128xf32> to vector<1024x128xf32>
    %get3A_8 = arith.constant 1 : index
    %get3A_9 = arith.constant 0 : index
    %get3A_10 = arith.constant 0 : index
    %get3A_11 = vector.load %arg1[%get3A_8, %get3A_9, %get3A_10] : memref<2x1024x128xf32, #tpu.memory_space<vmem>>, vector<1x1024x128xf32>
    %get3A_12 = vector.shape_cast %get3A_11 : vector<1x1024x128xf32> to vector<1024x128xf32>
    %add3A = arith.addf %get3A_7, %get3A_12 : vector<1024x128xf32>
    %max3A = arith.constant 1.000000e+00 : f32
    %max3A_13 = vector.broadcast %max3A : f32 to vector<1024x1xf32>
    %max3A_14 = arith.maximumf %broadcast_in_dim3A, %max3A_13 : vector<1024x1xf32>
    %div3A = arith.constant 1.000000e+00 : f32
    %div3A_15 = vector.broadcast %div3A : f32 to vector<1024x1xf32>
    %div3A_16 = arith.divf %div3A_15, %max3A_14 : vector<1024x1xf32>
    %mul3A = vector.broadcast %div3A_16 : vector<1024x1xf32> to vector<1024x128xf32>
    %mul3A_17 = arith.mulf %add3A, %mul3A : vector<1024x128xf32>
    %get3A_18 = arith.constant 0 : index
    %get3A_19 = arith.constant 0 : index
    %get3A_20 = vector.load %arg4[%get3A_18, %get3A_19] : memref<128x128xf32, #tpu.memory_space<vmem>>, vector<128x128xf32>
    %dot_general3A = arith.constant dense<0.000000e+00> : vector<1024x128xf32>
    %dot_general3A_21 = tpu.matmul %mul3A_17, %get3A_20, %dot_general3A {dimension_numbers = #tpu.dot_dimension_numbers<[1], [0], [0], [1], [0, 0, 1, 1], [], []>, transpose_lhs_hint = false} : vector<1024x128xf32>, vector<128x128xf32>, vector<1024x128xf32> -> vector<1024x128xf32>
    %get3A_22 = arith.constant 0 : index
    %get3A_23 = arith.constant 0 : index
    %get3A_24 = vector.load %arg5[%get3A_22, %get3A_23] : memref<1x128xf32, #tpu.memory_space<vmem>>, vector<1x128xf32>
    %add3A_25 = vector.broadcast %get3A_24 : vector<1x128xf32> to vector<1024x128xf32>
    %add3A_26 = arith.addf %dot_general3A_21, %add3A_25 : vector<1024x128xf32>
    %get3A_27 = arith.constant 0 : index
    %get3A_28 = arith.constant 0 : index
    %get3A_29 = vector.load %arg3[%get3A_27, %get3A_28] : memref<1024x128xf32, #tpu.memory_space<vmem>>, vector<1024x128xf32>
    %get3A_30 = arith.constant 0 : index
    %get3A_31 = arith.constant 0 : index
    %get3A_32 = vector.load %arg6[%get3A_30, %get3A_31] : memref<128x128xf32, #tpu.memory_space<vmem>>, vector<128x128xf32>
    %dot_general3A_33 = arith.constant dense<0.000000e+00> : vector<1024x128xf32>
    %dot_general3A_34 = tpu.matmul %get3A_29, %get3A_32, %dot_general3A_33 {dimension_numbers = #tpu.dot_dimension_numbers<[1], [0], [0], [1], [0, 0, 1, 1], [], []>, transpose_lhs_hint = false} : vector<1024x128xf32>, vector<128x128xf32>, vector<1024x128xf32> -> vector<1024x128xf32>
    %add3A_35 = arith.addf %add3A_26, %dot_general3A_34 : vector<1024x128xf32>
    %max3A_36 = arith.constant 0.000000e+00 : f32
    %max3A_37 = vector.broadcast %max3A_36 : f32 to vector<1024x128xf32>
    %max3A_38 = arith.maximumf %add3A_35, %max3A_37 : vector<1024x128xf32>
    %swap3A = arith.constant 0 : index
    %swap3A_39 = arith.constant 0 : index
    %swap3A_40 = vector.load %arg7[%swap3A, %swap3A_39] : memref<1024x128xf32, #tpu.memory_space<vmem>>, vector<1024x128xf32>
    tpu.vector_store %arg7[%swap3A, %swap3A_39], %max3A_38 {strides = array<i32>} : memref<1024x128xf32, #tpu.memory_space<vmem>>, vector<1024x128xf32>,
    %broadcast_in_dim3A_41 = vector.shape_cast %div3A_16 : vector<1024x1xf32> to vector<1024x1xf32>
    %broadcast_in_dim3A_42 = vector.broadcast %broadcast_in_dim3A_41 : vector<1024x1xf32> to vector<1024x16xf32>
    %swap3A_43 = arith.constant 0 : index
    %swap3A_44 = arith.constant 0 : index
    %swap3A_45 = vector.load %arg8[%swap3A_43, %swap3A_44] : memref<1024x16xf32, #tpu.memory_space<vmem>>, vector<1024x16xf32>
    tpu.vector_store %arg8[%swap3A_43, %swap3A_44], %broadcast_in_dim3A_42 {strides = array<i32>} : memref<1024x16xf32, #tpu.memory_space<vmem>>, vector<1024x16xf32>,
    return
  }
  func.func @transform_0(%arg0: i32) -> (i32, i32, i32) {
    %c0_i32 = arith.constant 0 : i32
    %c0_i32_0 = arith.constant 0 : i32
    %c0_i32_1 = arith.constant 0 : i32
    return %c0_i32, %arg0, %c0_i32_0 : i32, i32, i32
  }
  func.func @transform_1(%arg0: i32) -> (i32, i32) {
    %c0_i32 = arith.constant 0 : i32
    %c0_i32_0 = arith.constant 0 : i32
    return %c0_i32, %arg0 : i32, i32
  }
  func.func @transform_2(%arg0: i32) -> (i32, i32) {
    %c0_i32 = arith.constant 0 : i32
    %c0_i32_0 = arith.constant 0 : i32
    return %arg0, %c0_i32 : i32, i32
  }
  func.func @transform_3(%arg0: i32) -> (i32, i32) {
    %c0_i32 = arith.constant 0 : i32
    %c0_i32_0 = arith.constant 0 : i32
    %c0_i32_1 = arith.constant 0 : i32
    return %c0_i32, %c0_i32_0 : i32, i32
  }
  func.func @transform_4(%arg0: i32) -> (i32, i32) {
    %c0_i32 = arith.constant 0 : i32
    %c0_i32_0 = arith.constant 0 : i32
    %c0_i32_1 = arith.constant 0 : i32
    return %c0_i32, %c0_i32_0 : i32, i32
  }
  func.func @transform_5(%arg0: i32) -> (i32, i32) {
    %c0_i32 = arith.constant 0 : i32
    %c0_i32_0 = arith.constant 0 : i32
    %c0_i32_1 = arith.constant 0 : i32
    return %c0_i32, %c0_i32_0 : i32, i32
  }
  func.func @transform_6(%arg0: i32) -> (i32, i32) {
    %c0_i32 = arith.constant 0 : i32
    %c0_i32_0 = arith.constant 0 : i32
    return %arg0, %c0_i32 : i32, i32
  }
  func.func @transform_7(%arg0: i32) -> (i32, i32) {
    %c0_i32 = arith.constant 0 : i32
    %c0_i32_0 = arith.constant 0 : i32
    return %arg0, %c0_i32 : i32, i32
  }
}

module attributes {stable_mosaic.version = 14 : i64} {
  func.func @_layer2_body(%arg0: i32, %arg1: memref<2x1024x128xf32, #tpu.memory_space<vmem>>, %arg2: memref<1024x16xf32, #tpu.memory_space<vmem>>, %arg3: memref<1024x128xf32, #tpu.memory_space<vmem>>, %arg4: memref<128x128xf32, #tpu.memory_space<vmem>>, %arg5: memref<1x128xf32, #tpu.memory_space<vmem>>, %arg6: memref<128x128xf32, #tpu.memory_space<vmem>>, %arg7: memref<128x128xf32, #tpu.memory_space<vmem>>, %arg8: memref<1024x16xf32, #tpu.memory_space<vmem>>, %arg9: memref<1024x16xf32, #tpu.memory_space<vmem>>, %arg10: memref<1024x128xf32, #tpu.memory_space<vmem>>, %arg11: memref<1x1xf32, #tpu.memory_space<smem>>, %arg12: memref<4xf32, #tpu.memory_space<smem>>) attributes {dimension_semantics = [#tpu.dimension_semantics<arbitrary>], iteration_bounds = array<i64: 10>, scalar_prefetch = 0 : i64, scratch_operands = 1 : i64, tpu.core_type = #tpu.core_type<tc>, window_params = [{transform_indices = @transform_0, window_bounds = array<i64: 2, 1024, 128>}, {transform_indices = @transform_1, window_bounds = array<i64: 1024, 16>}, {transform_indices = @transform_2, window_bounds = array<i64: 1024, 128>}, {pipeline_mode = #tpu.pipeline_mode<synchronous>, transform_indices = @transform_3, window_bounds = array<i64: 128, 128>}, {pipeline_mode = #tpu.pipeline_mode<synchronous>, transform_indices = @transform_4, window_bounds = array<i64: 1, 128>}, {pipeline_mode = #tpu.pipeline_mode<synchronous>, transform_indices = @transform_5, window_bounds = array<i64: 128, 128>}, {pipeline_mode = #tpu.pipeline_mode<synchronous>, transform_indices = @transform_6, window_bounds = array<i64: 128, 128>}, {transform_indices = @transform_7, window_bounds = array<i64: 1024, 16>}, {transform_indices = @transform_8, window_bounds = array<i64: 1024, 16>}, {transform_indices = @transform_9, window_bounds = array<i64: 1024, 128>}, {transform_indices = @transform_10, window_bounds = array<i64: 1, 1>}]} {
    %eq3A = arith.constant 0 : i32
    %eq3A_0 = arith.cmpi eq, %arg0, %eq3A : i32
    %convert_element_type3A = arith.extui %eq3A_0 : i1 to i32
    %cond3A = arith.constant 0 : i32
    %cond3A_1 = arith.cmpi ne, %convert_element_type3A, %cond3A : i32
    scf.if %cond3A_1 {
      %swap3A_102 = arith.constant 0.000000e+00 : f32
      %swap3A_103 = arith.constant 0 : index
      %swap3A_104 = memref.load %arg12[%swap3A_103] : memref<4xf32, #tpu.memory_space<smem>>
      memref.store %swap3A_102, %arg12[%swap3A_103] : memref<4xf32, #tpu.memory_space<smem>>
      %swap3A_105 = arith.constant 0.000000e+00 : f32
      %swap3A_106 = arith.constant 1 : index
      %swap3A_107 = memref.load %arg12[%swap3A_106] : memref<4xf32, #tpu.memory_space<smem>>
      memref.store %swap3A_105, %arg12[%swap3A_106] : memref<4xf32, #tpu.memory_space<smem>>
      %swap3A_108 = arith.constant 0.000000e+00 : f32
      %swap3A_109 = arith.constant 2 : index
      %swap3A_110 = memref.load %arg12[%swap3A_109] : memref<4xf32, #tpu.memory_space<smem>>
      memref.store %swap3A_108, %arg12[%swap3A_109] : memref<4xf32, #tpu.memory_space<smem>>
      %swap3A_111 = arith.constant 0.000000e+00 : f32
      %swap3A_112 = arith.constant 3 : index
      %swap3A_113 = memref.load %arg12[%swap3A_112] : memref<4xf32, #tpu.memory_space<smem>>
      memref.store %swap3A_111, %arg12[%swap3A_112] : memref<4xf32, #tpu.memory_space<smem>>
    } else {
    }
    %get3A = arith.constant 0 : index
    %get3A_2 = arith.constant 0 : index
    %get3A_3 = arith.constant 0 : index
    %get3A_4 = vector.load %arg1[%get3A, %get3A_2, %get3A_3] : memref<2x1024x128xf32, #tpu.memory_space<vmem>>, vector<1x1024x128xf32>
    %get3A_5 = vector.shape_cast %get3A_4 : vector<1x1024x128xf32> to vector<1024x128xf32>
    %get3A_6 = arith.constant 1 : index
    %get3A_7 = arith.constant 0 : index
    %get3A_8 = arith.constant 0 : index
    %get3A_9 = vector.load %arg1[%get3A_6, %get3A_7, %get3A_8] : memref<2x1024x128xf32, #tpu.memory_space<vmem>>, vector<1x1024x128xf32>
    %get3A_10 = vector.shape_cast %get3A_9 : vector<1x1024x128xf32> to vector<1024x128xf32>
    %add3A = arith.addf %get3A_5, %get3A_10 : vector<1024x128xf32>
    %get3A_11 = arith.constant 0 : index
    %get3A_12 = arith.constant 0 : index
    %get3A_13 = vector.load %arg2[%get3A_11, %get3A_12] : memref<1024x16xf32, #tpu.memory_space<vmem>>, vector<1024x1xf32>
    %mul3A = vector.broadcast %get3A_13 : vector<1024x1xf32> to vector<1024x128xf32>
    %mul3A_14 = arith.mulf %add3A, %mul3A : vector<1024x128xf32>
    %get3A_15 = arith.constant 0 : index
    %get3A_16 = arith.constant 0 : index
    %get3A_17 = vector.load %arg4[%get3A_15, %get3A_16] : memref<128x128xf32, #tpu.memory_space<vmem>>, vector<128x128xf32>
    %dot_general3A = arith.constant dense<0.000000e+00> : vector<1024x128xf32>
    %dot_general3A_18 = tpu.matmul %mul3A_14, %get3A_17, %dot_general3A {dimension_numbers = #tpu.dot_dimension_numbers<[1], [0], [0], [1], [0, 0, 1, 1], [], []>, transpose_lhs_hint = false} : vector<1024x128xf32>, vector<128x128xf32>, vector<1024x128xf32> -> vector<1024x128xf32>
    %get3A_19 = arith.constant 0 : index
    %get3A_20 = arith.constant 0 : index
    %get3A_21 = vector.load %arg5[%get3A_19, %get3A_20] : memref<1x128xf32, #tpu.memory_space<vmem>>, vector<1x128xf32>
    %add3A_22 = vector.broadcast %get3A_21 : vector<1x128xf32> to vector<1024x128xf32>
    %add3A_23 = arith.addf %dot_general3A_18, %add3A_22 : vector<1024x128xf32>
    %get3A_24 = arith.constant 0 : index
    %get3A_25 = arith.constant 0 : index
    %get3A_26 = vector.load %arg3[%get3A_24, %get3A_25] : memref<1024x128xf32, #tpu.memory_space<vmem>>, vector<1024x128xf32>
    %get3A_27 = arith.constant 0 : index
    %get3A_28 = arith.constant 0 : index
    %get3A_29 = vector.load %arg6[%get3A_27, %get3A_28] : memref<128x128xf32, #tpu.memory_space<vmem>>, vector<128x128xf32>
    %dot_general3A_30 = arith.constant dense<0.000000e+00> : vector<1024x128xf32>
    %dot_general3A_31 = tpu.matmul %get3A_26, %get3A_29, %dot_general3A_30 {dimension_numbers = #tpu.dot_dimension_numbers<[1], [0], [0], [1], [0, 0, 1, 1], [], []>, transpose_lhs_hint = false} : vector<1024x128xf32>, vector<128x128xf32>, vector<1024x128xf32> -> vector<1024x128xf32>
    %add3A_32 = arith.addf %add3A_23, %dot_general3A_31 : vector<1024x128xf32>
    %swap3A = arith.constant 0 : index
    %swap3A_33 = arith.constant 0 : index
    %swap3A_34 = vector.load %arg10[%swap3A, %swap3A_33] : memref<1024x128xf32, #tpu.memory_space<vmem>>, vector<1024x128xf32>
    tpu.vector_store %arg10[%swap3A, %swap3A_33], %add3A_32 {strides = array<i32>} : memref<1024x128xf32, #tpu.memory_space<vmem>>, vector<1024x128xf32>,
    %get3A_35 = arith.constant 0 : index
    %get3A_36 = arith.constant 0 : index
    %get3A_37 = vector.load %arg7[%get3A_35, %get3A_36] : memref<128x128xf32, #tpu.memory_space<vmem>>, vector<128x128xf32>
    %dot_general3A_38 = arith.constant dense<0.000000e+00> : vector<1024x128xf32>
    %dot_general3A_39 = tpu.matmul %add3A_32, %get3A_37, %dot_general3A_38 {dimension_numbers = #tpu.dot_dimension_numbers<[1], [0], [0], [1], [0, 0, 1, 1], [], []>, transpose_lhs_hint = false} : vector<1024x128xf32>, vector<128x128xf32>, vector<1024x128xf32> -> vector<1024x128xf32>
    %custom_jvp_call3A = arith.constant 0.000000e+00 : f32
    %max3A = vector.broadcast %custom_jvp_call3A : f32 to vector<1024x128xf32>
    %max3A_40 = arith.maximumf %max3A, %dot_general3A_39 : vector<1024x128xf32>
    %sub3A = vector.broadcast %custom_jvp_call3A : f32 to vector<1024x128xf32>
    %sub3A_41 = arith.subf %sub3A, %dot_general3A_39 : vector<1024x128xf32>
    %ne3A = arith.cmpf one, %sub3A_41, %sub3A_41 : vector<1024x128xf32>
    %add3A_42 = vector.broadcast %custom_jvp_call3A : f32 to vector<1024x128xf32>
    %add3A_43 = arith.addf %add3A_42, %dot_general3A_39 : vector<1024x128xf32>
    %abs3A = math.absf %sub3A_41 : vector<1024x128xf32>
    %neg3A = arith.constant 0.000000e+00 : f32
    %neg3A_44 = vector.broadcast %neg3A : f32 to vector<1024x128xf32>
    %neg3A_45 = arith.subf %neg3A_44, %abs3A : vector<1024x128xf32>
    %exp3A = math.exp %neg3A_45 : vector<1024x128xf32>
    %log1p3A = math.log1p %exp3A : vector<1024x128xf32>
    %add3A_46 = arith.addf %max3A_40, %log1p3A : vector<1024x128xf32>
    %select_n3A = arith.select %ne3A, %add3A_43, %add3A_46 : vector<1024x128xi1>, vector<1024x128xf32>
    %get3A_47 = arith.constant 0 : index
    %get3A_48 = arith.constant 0 : index
    %get3A_49 = vector.load %arg8[%get3A_47, %get3A_48] : memref<1024x16xf32, #tpu.memory_space<vmem>>, vector<1024x1xf32>
    %get3A_50 = arith.constant 0 : index
    %get3A_51 = arith.constant 0 : index
    %get3A_52 = vector.load %arg9[%get3A_50, %get3A_51] : memref<1024x16xf32, #tpu.memory_space<vmem>>, vector<1024x1xf32>
    %get3A_53 = arith.constant 0 : index
    %get3A_54 = memref.load %arg12[%get3A_53] : memref<4xf32, #tpu.memory_space<smem>>
    %mul3A_55 = vector.broadcast %get3A_52 : vector<1024x1xf32> to vector<1024x128xf32>
    %mul3A_56 = arith.mulf %select_n3A, %mul3A_55 : vector<1024x128xf32>
    %reduce_sum3A = vector.shape_cast %mul3A_56 : vector<1024x128xf32> to vector<1x1024x128xf32>
    %reduce_sum3A_57 = arith.constant dense<0.000000e+00> : vector<1xf32>
    %reduce_sum3A_58 = vector.multi_reduction <add>, %reduce_sum3A, %reduce_sum3A_57 [1, 2] : vector<1x1024x128xf32> to vector<1xf32>
    %reduce_sum3A_59 = vector.shape_cast %reduce_sum3A_58 : vector<1xf32> to vector<1x1x1xf32>
    %reduce_sum3A_60 = vector.extract %reduce_sum3A_59[0, 0, 0] : f32 from vector<1x1x1xf32>
    %add3A_61 = arith.addf %get3A_54, %reduce_sum3A_60 : f32
    %swap3A_62 = arith.constant 0 : index
    %swap3A_63 = memref.load %arg12[%swap3A_62] : memref<4xf32, #tpu.memory_space<smem>>
    memref.store %add3A_61, %arg12[%swap3A_62] : memref<4xf32, #tpu.memory_space<smem>>
    %get3A_64 = arith.constant 1 : index
    %get3A_65 = memref.load %arg12[%get3A_64] : memref<4xf32, #tpu.memory_space<smem>>
    %sub3A_66 = arith.subf %select_n3A, %dot_general3A_39 : vector<1024x128xf32>
    %mul3A_67 = vector.broadcast %get3A_49 : vector<1024x1xf32> to vector<1024x128xf32>
    %mul3A_68 = arith.mulf %sub3A_66, %mul3A_67 : vector<1024x128xf32>
    %reduce_sum3A_69 = vector.shape_cast %mul3A_68 : vector<1024x128xf32> to vector<1x1024x128xf32>
    %reduce_sum3A_70 = arith.constant dense<0.000000e+00> : vector<1xf32>
    %reduce_sum3A_71 = vector.multi_reduction <add>, %reduce_sum3A_69, %reduce_sum3A_70 [1, 2] : vector<1x1024x128xf32> to vector<1xf32>
    %reduce_sum3A_72 = vector.shape_cast %reduce_sum3A_71 : vector<1xf32> to vector<1x1x1xf32>
    %reduce_sum3A_73 = vector.extract %reduce_sum3A_72[0, 0, 0] : f32 from vector<1x1x1xf32>
    %add3A_74 = arith.addf %get3A_65, %reduce_sum3A_73 : f32
    %swap3A_75 = arith.constant 1 : index
    %swap3A_76 = memref.load %arg12[%swap3A_75] : memref<4xf32, #tpu.memory_space<smem>>
    memref.store %add3A_74, %arg12[%swap3A_75] : memref<4xf32, #tpu.memory_space<smem>>
    %get3A_77 = arith.constant 2 : index
    %get3A_78 = memref.load %arg12[%get3A_77] : memref<4xf32, #tpu.memory_space<smem>>
    %reduce_sum3A_79 = vector.shape_cast %get3A_49 : vector<1024x1xf32> to vector<1x1024x1xf32>
    %reduce_sum3A_80 = arith.constant dense<0.000000e+00> : vector<1xf32>
    %reduce_sum3A_81 = vector.multi_reduction <add>, %reduce_sum3A_79, %reduce_sum3A_80 [1, 2] : vector<1x1024x1xf32> to vector<1xf32>
    %reduce_sum3A_82 = vector.shape_cast %reduce_sum3A_81 : vector<1xf32> to vector<1x1x1xf32>
    %reduce_sum3A_83 = vector.extract %reduce_sum3A_82[0, 0, 0] : f32 from vector<1x1x1xf32>
    %add3A_84 = arith.addf %get3A_78, %reduce_sum3A_83 : f32
    %swap3A_85 = arith.constant 2 : index
    %swap3A_86 = memref.load %arg12[%swap3A_85] : memref<4xf32, #tpu.memory_space<smem>>
    memref.store %add3A_84, %arg12[%swap3A_85] : memref<4xf32, #tpu.memory_space<smem>>
    %get3A_87 = arith.constant 3 : index
    %get3A_88 = memref.load %arg12[%get3A_87] : memref<4xf32, #tpu.memory_space<smem>>
    %reduce_sum3A_89 = vector.shape_cast %get3A_52 : vector<1024x1xf32> to vector<1x1024x1xf32>
    %reduce_sum3A_90 = arith.constant dense<0.000000e+00> : vector<1xf32>
    %reduce_sum3A_91 = vector.multi_reduction <add>, %reduce_sum3A_89, %reduce_sum3A_90 [1, 2] : vector<1x1024x1xf32> to vector<1xf32>
    %reduce_sum3A_92 = vector.shape_cast %reduce_sum3A_91 : vector<1xf32> to vector<1x1x1xf32>
    %reduce_sum3A_93 = vector.extract %reduce_sum3A_92[0, 0, 0] : f32 from vector<1x1x1xf32>
    %add3A_94 = arith.addf %get3A_88, %reduce_sum3A_93 : f32
    %swap3A_95 = arith.constant 3 : index
    %swap3A_96 = memref.load %arg12[%swap3A_95] : memref<4xf32, #tpu.memory_space<smem>>
    memref.store %add3A_94, %arg12[%swap3A_95] : memref<4xf32, #tpu.memory_space<smem>>
    %eq3A_97 = arith.constant 9 : i32
    %eq3A_98 = arith.cmpi eq, %arg0, %eq3A_97 : i32
    %convert_element_type3A_99 = arith.extui %eq3A_98 : i1 to i32
    %cond3A_100 = arith.constant 0 : i32
    %cond3A_101 = arith.cmpi ne, %convert_element_type3A_99, %cond3A_100 : i32
    scf.if %cond3A_101 {
      %get3A_102 = arith.constant 0 : index
      %get3A_103 = memref.load %arg12[%get3A_102] : memref<4xf32, #tpu.memory_space<smem>>
      %get3A_104 = arith.constant 3 : index
      %get3A_105 = memref.load %arg12[%get3A_104] : memref<4xf32, #tpu.memory_space<smem>>
      %mul3A_106 = arith.constant 1.280000e+02 : f32
      %mul3A_107 = arith.mulf %get3A_105, %mul3A_106 : f32
      %div3A = arith.divf %get3A_103, %mul3A_107 : f32
      %get3A_108 = arith.constant 1 : index
      %get3A_109 = memref.load %arg12[%get3A_108] : memref<4xf32, #tpu.memory_space<smem>>
      %get3A_110 = arith.constant 2 : index
      %get3A_111 = memref.load %arg12[%get3A_110] : memref<4xf32, #tpu.memory_space<smem>>
      %mul3A_112 = arith.constant 1.280000e+02 : f32
      %mul3A_113 = arith.mulf %get3A_111, %mul3A_112 : f32
      %div3A_114 = arith.divf %get3A_109, %mul3A_113 : f32
      %add3A_115 = arith.addf %div3A, %div3A_114 : f32
      %swap3A_116 = arith.constant 0 : index
      %swap3A_117 = arith.constant 0 : index
      %swap3A_118 = memref.load %arg11[%swap3A_116, %swap3A_117] : memref<1x1xf32, #tpu.memory_space<smem>>
      memref.store %add3A_115, %arg11[%swap3A_116, %swap3A_117] : memref<1x1xf32, #tpu.memory_space<smem>>
    } else {
    }
    return
  }
  func.func @transform_0(%arg0: i32) -> (i32, i32, i32) {
    %c0_i32 = arith.constant 0 : i32
    %c0_i32_0 = arith.constant 0 : i32
    %c0_i32_1 = arith.constant 0 : i32
    return %c0_i32, %arg0, %c0_i32_0 : i32, i32, i32
  }
  func.func @transform_1(%arg0: i32) -> (i32, i32) {
    %c0_i32 = arith.constant 0 : i32
    %c0_i32_0 = arith.constant 0 : i32
    return %arg0, %c0_i32 : i32, i32
  }
  func.func @transform_2(%arg0: i32) -> (i32, i32) {
    %c0_i32 = arith.constant 0 : i32
    %c0_i32_0 = arith.constant 0 : i32
    return %arg0, %c0_i32 : i32, i32
  }
  func.func @transform_3(%arg0: i32) -> (i32, i32) {
    %c0_i32 = arith.constant 0 : i32
    %c0_i32_0 = arith.constant 0 : i32
    %c0_i32_1 = arith.constant 0 : i32
    return %c0_i32, %c0_i32_0 : i32, i32
  }
  func.func @transform_4(%arg0: i32) -> (i32, i32) {
    %c0_i32 = arith.constant 0 : i32
    %c0_i32_0 = arith.constant 0 : i32
    %c0_i32_1 = arith.constant 0 : i32
    return %c0_i32, %c0_i32_0 : i32, i32
  }
  func.func @transform_5(%arg0: i32) -> (i32, i32) {
    %c0_i32 = arith.constant 0 : i32
    %c0_i32_0 = arith.constant 0 : i32
    %c0_i32_1 = arith.constant 0 : i32
    return %c0_i32, %c0_i32_0 : i32, i32
  }
  func.func @transform_6(%arg0: i32) -> (i32, i32) {
    %c0_i32 = arith.constant 0 : i32
    %c0_i32_0 = arith.constant 0 : i32
    %c0_i32_1 = arith.constant 0 : i32
    return %c0_i32, %c0_i32_0 : i32, i32
  }
  func.func @transform_7(%arg0: i32) -> (i32, i32) {
    %c0_i32 = arith.constant 0 : i32
    %c0_i32_0 = arith.constant 0 : i32
    return %arg0, %c0_i32 : i32, i32
  }
  func.func @transform_8(%arg0: i32) -> (i32, i32) {
    %c0_i32 = arith.constant 0 : i32
    %c0_i32_0 = arith.constant 0 : i32
    return %arg0, %c0_i32 : i32, i32
  }
  func.func @transform_9(%arg0: i32) -> (i32, i32) {
    %c0_i32 = arith.constant 0 : i32
    %c0_i32_0 = arith.constant 0 : i32
    return %arg0, %c0_i32 : i32, i32
  }
  func.func @transform_10(%arg0: i32) -> (i32, i32) {
    %c0_i32 = arith.constant 0 : i32
    %c0_i32_0 = arith.constant 0 : i32
    %c0_i32_1 = arith.constant 0 : i32
    return %c0_i32, %c0_i32_0 : i32, i32
  }
}

</mosaic_0001>

<sc_bundles>
// kernel: kernel.6.cloned.1.call-start
scs
__scs_entry_jumppad:
0x0: {  	(pc) =	sbr.rel $0x88, $3  }
0x1: {  	(tag) =	ssettag $0x0;
	lr =	simm.s32 $0x1  }
0x2: {  	[smem:$0x3F97] =	sst lr;
	_ =	strace $0xD0000000  }
0x3: {  	_ = 	snop  }
0x4: {  	_ = 	snop  }
0x5: {  	_ = 	snop  }
0x6: {  	_ = 	snop  }
0x7: {  	_ = 	snop  }
__scs_overlays_trampoline_lowered:
0x8: {  	[smem:$0x3FA6] =	sst s0  }
0x9: {  	[smem:$0x3FA7] =	sst s1  }
0xa: {  	[smem:$0x3FA8] =	sst s2  }
0xb: {  	[smem:$0x3FA9] =	sst s3  }
0xc: {  	[smem:$0x3FAA] =	sst s4  }
0xd: {  	[smem:$0x3FAB] =	sst s5  }
0xe: {  	[smem:$0x3FAC] =	sst s6  }
0xf: {  	[smem:$0x3FAD] =	sst s7  }
0x10: {  	[smem:$0x3FAE] =	sst s8  }
0x11: {  	[smem:$0x3FAF] =	sst s9;
	s0 =	simm.s32 @!p0 $0x0  }
0x12: {  	s1 =	sld [smem:$0x3F95];
	s0 =	simm.s32 @p0 $0x1  }
0x13: {  	[smem:$0x3FB0] =	sst s0;
	s0 =	simm.s32 @!p1 $0x0  }
0x14: {  	s2 =	sld [smem:$0x3F94];
	s0 =	simm.s32 @p1 $0x1  }
0x15: {  	[smem:$0x3FB1] =	sst s0;
	s0 =	simm.s32 @!p2 $0x0  }
0x16: {  	s3 =	sld [smem:$0x3FDB];
	s0 =	simm.s32 @p2 $0x1  }
0x17: {  	s4 =	simm.s32 $0x1BF5;
	[smem:$0x3FB3] =	sst s0  }
0x18: {  	s0 =	sld [smem:$0x3F96];
	_ =	swait.ge [sflag:s4], $0x0  }
0x19: {  	s7 =	sld [smem:$0x3F97]  }
0x1a: {  	s8 =	sadd.s32 $0xFFFFE003, lr  }
0x1b: {  	s9 =	sadd.s32 $0xFFFFFEF7, lr;
	s5 =	simm.s32 $0xFFFFFFFF;
	p2 =	slt.u32 s8, $0xFFFFF086  }
0x1c: {  	p1 =	slt.u32 s9, $0xF7A;
	s5 =	simm.s32 @!p2 $0x0  }
0x1d: {  	s5 =	simm.s32 @p1 $0x1;
	p0 =	seq.s32 s7, s2  }
0x1e: {  	s7 =	smul.u32 @!p0 $0xF7A, s2;
	p2 =	seq.s32 @!p0 s5, $0x0  }
0x1f: {  	s9 =	smul.u32 $0xF7A, s1;
	s8 =	simm.s32 @!p0 $0x1BF5;
	p2 =	por !p2, p0  }
0x20: {  	[sflag:s8] =	ssyncset.s32 @!p0 $0xFFFFF086;
	s6 =	sadd.s32 @!p0 s3, s7;
	s7 =	simm.s32 @!p0 $0x108  }
0x21: {  	s3 =	sadd.s32 s3, s9;
	s6 =	sadd.s32 @!p0 $0x88, s6;
	s7 =	simm.s32 @p2 $0x1082  }
0x22: {  	[simem:s7], [sflag:s8] =	dma.local @!p0 [hbm:s6], $0xF7A  }
0x23: {  	s9 =	sor.u32 $0xD0000000, s2;
	s6 =	simm.s32 $0x108;
	_ =	swait.ge @!p0 [sflag:s8], $0x0  }
0x24: {  	s3 =	sadd.s32 $0x88, s3;
	s6 =	simm.s32 @!p1 $0x1082;
	[sflag:s4] =	ssyncset.s32 $0xFFFFF086  }
0x25: {  	[simem:s6], [sflag:s4] =	dma.local [hbm:s3], $0xF7A  }
0x26: {  	[smem:$0x3F97] =	sst s1;
	(tag) =	ssettag s2;
	_ =	strace s9  }
0x27: {  	s1 =	sld [smem:$0x3FA7]  }
0x28: {  	s2 =	sld [smem:$0x3FA8]  }
0x29: {  	s4 =	sld [smem:$0x3FAA]  }
0x2a: {  	p0 =	seq.s32 s5, $0x0;
	s5 =	sld [smem:$0x3FAB]  }
0x2b: {  	s6 =	sld [smem:$0x3FAC]  }
0x2c: {  	s7 =	sld [smem:$0x3FAD]  }
0x2d: {  	s3 =	simm.s32 $0x108;
	s8 =	sld [smem:$0x3FAE]  }
0x2e: {  	s3 =	simm.s32 @!p0 $0x1082;
	s9 =	sld [smem:$0x3FAF]  }
0x2f: {  	lr =	sadd.s32 s0, s3;
	s0 =	sld [smem:$0x3FA6]  }
0x30: {  	s3 =	sld [smem:$0x3FA9]  }
0x31: {  	[smem:$0x3FB2] =	sst s10  }
0x32: {  	s10 =	sld [smem:$0x3FB0];
	_ =	sdelay $0x3  }
0x33: {  	p0 =	seq.s32 s10, $0x1;
	s10 =	sld [smem:$0x3FB2];
	_ =	sdelay $0x3  }
0x34: {  	[smem:$0x3FB2] =	sst s10  }
0x35: {  	s10 =	sld [smem:$0x3FB1];
	_ =	sdelay $0x3  }
0x36: {  	p1 =	seq.s32 s10, $0x1;
	s10 =	sld [smem:$0x3FB2];
	_ =	sdelay $0x3  }
0x37: {  	[smem:$0x3FB2] =	sst s10  }
0x38: {  	s10 =	sld [smem:$0x3FB3]  }
0x39: {  	_ = 	snop;
	(pc) =	sbr.ind lr, $3  }
0x3a: {  	_ = 	snop  }
0x3b: {  	_ = 	snop  }
0x3c: {  	p2 =	seq.s32 s10, $0x1;
	s10 =	sld [smem:$0x3FB2]  }
0x3d: {  	_ =	shalt  }
0x3e: {  	_ =	shalt  }
0x3f: {  	_ =	shalt  }
0x40: {  	_ =	shalt  }
0x41: {  	_ =	shalt  }
0x42: {  	_ =	shalt  }
0x43: {  	_ =	shalt  }
0x44: {  	_ =	shalt  }
0x45: {  	_ =	shalt  }
0x46: {  	_ =	shalt  }
0x47: {  	_ =	shalt  }
0x48: {  	_ =	shalt  }
0x49: {  	_ =	shalt  }
0x4a: {  	_ =	shalt  }
0x4b: {  	_ =	shalt  }
0x4c: {  	_ =	shalt  }
0x4d: {  	_ =	shalt  }
0x4e: {  	_ =	shalt  }
0x4f: {  	_ =	shalt  }
0x50: {  	_ =	shalt  }
0x51: {  	_ =	shalt  }
0x52: {  	_ =	shalt  }
0x53: {  	_ =	shalt  }
0x54: {  	_ =	shalt  }
0x55: {  	_ =	shalt  }
0x56: {  	_ =	shalt  }
0x57: {  	_ =	shalt  }
0x58: {  	_ =	shalt  }
0x59: {  	_ =	shalt  }
0x5a: {  	_ =	shalt  }
0x5b: {  	_ =	shalt  }
0x5c: {  	_ =	shalt  }
0x5d: {  	_ =	shalt  }
0x5e: {  	_ =	shalt  }
0x5f: {  	_ =	shalt  }
0x60: {  	_ =	shalt  }
0x61: {  	_ =	shalt  }
0x62: {  	_ =	shalt  }
0x63: {  	_ =	shalt  }
0x64: {  	_ =	shalt  }
0x65: {  	_ =	shalt  }
0x66: {  	_ =	shalt  }
0x67: {  	_ =	shalt  }
0x68: {  	_ =	shalt  }
0x69: {  	_ =	shalt  }
0x6a: {  	_ =	shalt  }
0x6b: {  	_ =	shalt  }
0x6c: {  	_ =	shalt  }
0x6d: {  	_ =	shalt  }
0x6e: {  	_ =	shalt  }
0x6f: {  	_ =	shalt  }
0x70: {  	_ =	shalt  }
0x71: {  	_ =	shalt  }
0x72: {  	_ =	shalt  }
0x73: {  	_ =	shalt  }
0x74: {  	_ =	shalt  }
0x75: {  	_ =	shalt  }
0x76: {  	_ =	shalt  }
0x77: {  	_ =	shalt  }
0x78: {  	_ =	shalt  }
0x79: {  	_ =	shalt  }
0x7a: {  	_ =	shalt  }
0x7b: {  	_ =	shalt  }
0x7c: {  	_ =	shalt  }
0x7d: {  	_ =	shalt  }
0x7e: {  	_ =	shalt  }
0x7f: {  	_ =	shalt  }
0x80: {  	_ =	shalt  }
0x81: {  	_ =	shalt  }
0x82: {  	_ =	shalt  }
0x83: {  	_ =	shalt  }
0x84: {  	_ =	shalt  }
0x85: {  	_ =	shalt  }
0x86: {  	_ =	shalt  }
0x87: {  	_ =	shalt  }
.Lfunc_end0:
.L_simem_size_0:
called_computation_lowered:
.L_overlay_start_0:
0x88: {  	s2 =	sld [smem:$0x3FD9]  }
0x89: {  	s3 =	sld [smem:$0x3FFE];
	_ =	sdelay $0x1  }
0x8a: {  	s1 =	srdreg.scid  }
0x8b: {  	s0 =	sand.u32 $0x1, s1  }
0x8c: {  	s14 =	sshll.u32 s0, $0xA;
	s2 =	sadd.s32 s3, s2  }
0x8d: {  	s2 =	sadd.s32 s2, s14  }
0x8e: {  	[smem:$0x3FBE] =	sst s2  }
0x8f: {  	_ = 	snop  }
0x90: {  	s2 =	sld [smem:$0x3FD0];
	_ =	sdelay $0x2  }
0x91: {  	s15 =	simm.s32 $0xA;
	s4 =	simm.s32 $0x10  }
0x92: {  	[smem:s4], [sflag:s15] =	dma.local [hbm:s2], $0x1  }
0x93: {  	_ =	swait.eq [sflag:s15], $0x1  }
0x94: {  	[sflag:s15] =	ssyncset.done $0x0  }
0x95: {  	[sflag:s15] =	ssyncadd.s32 $0xFFFFFFFF  }
0x96: {  	s16 =	sld [smem:$0x11];
	(tm) =	ssettm $0x1  }
0x97: {  	s17 =	sld [smem:$0x3FFB];
	_ =	sdelay $0x3  }
0x98: {  	_ =	strace s17  }
0x99: {  	s3 =	sld [smem:$0x3FFC];
	_ =	sdelay $0x3  }
0x9a: {  	_ =	strace s3  }
0x9b: {  	s3 =	sld [smem:$0x3FFD];
	_ =	sdelay $0x3  }
0x9c: {  	_ =	strace s3  }
0x9d: {  	_ =	strace $0x8FFFFFFF  }
0x9e: {  	s18 =	sld [smem:$0x3FDB];
	_ =	sdelay $0x1  }
0x9f: {  	s19 =	simm.s32 $_scs_section_size  }
0xa0: {  	s5 =	simm.s32 $_size__tile_overlayer_lowered;
	s6 =	simm.s32 $_tile_overlayer_lowered  }
0xa1: {  	s22 =	simm.s32 $0x1BFF;
	s21 =	sshll.u32 s6, $0x1;
	s3 =	sadd.s32 s19, s18  }
0xa2: {  	s7 =	simm.s32 $0x0;
	s20 =	sshll.u32 s5, $0x1;
	s5 =	sadd.s32 s21, s3  }
0xa3: {  	[timem:s7], [sflag:s22] =	dma.local [hbm:s5], s20  }
0xa4: {  	_ =	swait.ge [sflag:s22], s20  }
0xa5: {  	s4 =	ssub.s32 $0x0, s20;
	[sflag:s22] =	ssyncset.done $0x0  }
0xa6: {  	[sflag:s22] =	ssyncadd.s32 s4;
	_ =	sdelay $0x1  }
0xa7: {  	s23 =	simm.s32 $0x1B8B  }
0xa8: {  	_ =	swait.ge [sflag:s23], $0x1  }
0xa9: {  	[sflag:s23] =	ssyncset.done $0x0  }
0xaa: {  	s25 =	simm.s32 $0x1B8E;
	s24 =	sld [smem:$0x3FFE];
	[sflag:s23] =	ssyncadd.s32 $0xFFFFFFFF  }
0xab: {  	s26 =	simm.s32 $execute0_lowered;
	[smem:$0x3FD2] =	sst s25  }
0xac: {  	s5 =	sshll.u32 s26, $0x1;
	_ =	strace $0x80000046;
	[dreg:$0x1] =	wrdreg $0xFFFFFFFF  }
0xad: {  	s28 =	simm.s32 $_size_execute0_lowered;
	s3 =	sadd.s32 s3, s5;
	[dreg:$0x0] =	wrdreg $0x0  }
0xae: {  	s5 =	sshll.u32 s28, $0x1;
	[dreg:$0x2] =	wrdreg s3  }
0xaf: {  	[dreg:$0x3] =	wrdreg s5  }
0xb0: {  	[dreg:$0x4] =	wrdreg $0xC0  }
0xb1: {  	_ =	task [dreg:s7], $0x5FFFF  }
0xb2: {  	[dreg:$0x1] =	wrdreg $0xFFFFFFFF  }
0xb3: {  	[dreg:$0x0] =	wrdreg $0x60  }
0xb4: {  	[dreg:$0x2] =	wrdreg s24  }
0xb5: {  	[dreg:$0x3] =	wrdreg s16  }
0xb6: {  	[dreg:$0x4] =	wrdreg $0x69000  }
0xb7: {  	[dreg:$0x5] =	wrdreg $0x9  }
0xb8: {  	_ =	task.clear_ibuf [dreg:s7], $0x6FFFF;
	_ =	strace $0x90000046  }
0xb9: {  	s29 =	simm.s32 $0x9;
	_ =	strace $0x80000048  }
0xba: {  	_ =	swait.ge [sflag:s29], $0x1  }
0xbb: {  	[sflag:s29] =	ssyncadd.s32 $0xFFFFFFFF  }
0xbc: {  	_ =	strace $0x90000048  }
0xbd: {  	_ =	sfence  }
0xbe: {  	s30 =	sld [smem:$0x0];
	_ =	sdelay $0x2  }
0xbf: {  	s31 =	sshll.u32 s1, $0xD;
	s1 =	sshrl.u32 s1, $0x2  }
0xc0: {  	s3 =	sand.u32 $0x4000, s31;
	s1 =	sadd.s32 s1, s30  }
0xc1: {  	s0 =	sor.u32 s3, s0;
	s1 =	sshll.u32 s1, $0x11  }
0xc2: {  	s0 =	sor.u32 s1, s0  }
0xc3: {  	s0 =	sadd.s32 $0x8F2B, s0  }
0xc4: {  	[sflag:s0] =	ssyncadd.remote.s32 $0x1  }
0xc5: {  	_ =	sfence.sel $0xFFFF  }
0xc6: {  	[dreg:$0x0] =	wrdreg $0xFFFFFFFF;
	(pc) =	sbr.abs _section_cstart, $3  }
0xc7: {  	[dreg:$0x1] =	wrdreg $0xFFFFFFFF  }
0xc8: {  	_ =	task.clear_ibuf [dreg:s7], $0x2FFFF;
	_ =	strace $0x9FFFFFFF  }
0xc9: {  	(tm) =	ssettm $0x7FFFFFFF  }
tec
execute0_lowered:
.L_overlay_start_1:
0x0: {  	(tag) =	ssettag $0x1  }
0x1: {  	s0 =	rddreg [dreg:$0x0]  }
0x2: {  	s8 =	rddreg [dreg:$0x1]  }
0x3: {  	s1 =	rddreg [dreg:$0x2]  }
0x4: {  	s3 =	srdreg.scid;
	s2 =	simm.s32 $0x0;
	s28 =	simm.s32 $0x4100  }
0x5: {  	s29 =	simm.s32 $0x80;
	s30 =	simm.s32 $0x1;
	s31 =	simm.s32 $0x0  }
0x6: {  	s9 =	sand.u32 $0x1, s3;
	[smem:$0x7FF] =	sst s2;
	s4 =	sadd.s32 $0x16200, s0  }
0x7: {  	s5 =	sadd.s32 $0x3E200, s0;
	s6 =	sadd.s32 $0x66200, s0;
	s3 =	smul.u32 $0x4F00, s9  }
0x8: {  	_ =	strace $0x80000047;
	s7 =	sshll.u32 s9, $0x4;
	s10 =	ssub.s32 $0x2, s9  }
0x9: {  	s21 =	smul.u32 $0x2800, s9;
	s22 =	sadd.s32 s3, s0;
	s3 =	stileid.u32  }
0xa: {  	s12 =	sshrl.u32 s10, $0x1;
	s0 =	sadd.s32 $0x66800, s0;
	s11 =	smul.u32 $0x50000, s3  }
0xb: {  	s10 =	ssub.s32 s10, s12;
	s7 =	sor.u32 s3, s7;
	s20 =	smul.u32 $0x280, s3  }
0xc: {  	s9 =	smax.u32 s10, $0x1;
	s13 =	smul.u32 $0x500, s7;
	s24 =	sshrl.u32 s11, $0x2  }
0xd: {  	s14 =	sadd.s32 s21, s20;
	s15 =	sadd.s32 $0x80, s20;
	s17 =	sadd.s32 $0x100, s20  }
0xe: {  	s23 =	sadd.s32 $0x180, s20;
	s7 =	sadd.s32 s24, s1;
	s8 =	sadd.s32 s8, s13  }
0xf: {  	s14 =	sshll.u32 s14, $0x4;
	s16 =	sadd.s32 s21, s15;
	s15 =	sshll.u32 s15, $0x7  }
0x10: {  	s18 =	sshll.u32 s17, $0x7;
	s19 =	sadd.s32 s21, s17;
	s26 =	sshll.u32 s23, $0x7  }
0x11: {  	s23 =	sadd.s32 s21, s23;
	s24 =	sadd.s32 $0x200, s20;
	s10 =	sadd.s32 $0x4000, s7  }
0x12: {  	s11 =	sadd.s32 $0x8000, s7;
	s12 =	sadd.s32 $0xC000, s7;
	s13 =	sadd.s32 $0x10000, s7  }
0x13: {  	s14 =	sadd.s32 s0, s14;
	s16 =	sshll.u32 s16, $0x4;
	s15 =	sadd.s32 s15, s1  }
0x14: {  	s17 =	sadd.s32 s18, s1;
	s25 =	sshll.u32 s19, $0x4;
	s19 =	sadd.s32 s26, s1  }
0x15: {  	s23 =	sshll.u32 s23, $0x4;
	s16 =	sadd.s32 s0, s16;
	s18 =	sadd.s32 s0, s25  }
0x16: {  	s25 =	smul.u32 $0x4F0, s3;
	s3 =	sadd.s32 s21, s24;
	s24 =	sshll.u32 s24, $0x7  }
0x17: {  	s20 =	sadd.s32 s0, s23;
	s21 =	sadd.s32 s24, s1;
	s23 =	sshll.u32 s3, $0x4  }
0x18: {  	s26 =	sadd.s32 s25, s22;
	s22 =	sadd.s32 s0, s23;
	s25 =	simm.s32 $0x100  }
0x19: {  	v0 =	vimm.f32 $1.000000000e+00;
	s23 =	sadd.s32 $0xC400, s26;
	s24 =	sadd.s32 $0x2600, s26;
	s26 =	simm.s32 $0x2  }
.LBB2_1:
0x1a: {  	[tilespmem:s25], [sflag:$0x2] =	stream.linear.gather [hbm4b:s5+s2], $0x4000, $0x38;
	[tilespmem:$0x1A900] =	vst v63  }
0x1b: {  	_ =	swait.ge [sflag:s26], $0x4000  }
0x1c: {  	[sflag:s26] =	ssyncset.done $0x0  }
0x1d: {  	[sflag:s26] =	ssyncadd.s32 $0xFFFFC000  }
0x1e: {  	[tilespmem:s28], [sflag:$0x2] =	stream.linear.gather [hbm4b:s6+s2], $0x2800, $0x38;
	[tilespmem:$0x1A900] =	vst v63  }
0x1f: {  	_ =	swait.ge [sflag:s26], $0x2800  }
0x20: {  	[sflag:s26] =	ssyncset.done $0x0  }
0x21: {  	[sflag:s26] =	ssyncadd.s32 $0xFFFFD800  }
0x22: {  	[spmem:s7] =	stream.linear.scatter [tilespmem:s25], [sflag:$0x2], $0x4000, $0x38;
	[tilespmem:$0x1A900] =	vst v63  }
0x23: {  	_ =	swait.ge [sflag:s26], $0x4000  }
0x24: {  	[sflag:s26] =	ssyncset.done $0x0  }
0x25: {  	[sflag:s26] =	ssyncadd.s32 $0xFFFFC000  }
0x26: {  	[spmem:s10] =	stream.linear.scatter [tilespmem:s25], [sflag:$0x2], $0x4000, $0x38;
	[tilespmem:$0x1A900] =	vst v63  }
0x27: {  	_ =	swait.ge [sflag:s26], $0x4000  }
0x28: {  	[sflag:s26] =	ssyncset.done $0x0  }
0x29: {  	[sflag:s26] =	ssyncadd.s32 $0xFFFFC000  }
0x2a: {  	[spmem:s11] =	stream.linear.scatter [tilespmem:s25], [sflag:$0x2], $0x4000, $0x38;
	[tilespmem:$0x1A900] =	vst v63  }
0x2b: {  	_ =	swait.ge [sflag:s26], $0x4000  }
0x2c: {  	[sflag:s26] =	ssyncset.done $0x0  }
0x2d: {  	[sflag:s26] =	ssyncadd.s32 $0xFFFFC000  }
0x2e: {  	[spmem:s12] =	stream.linear.scatter [tilespmem:s25], [sflag:$0x2], $0x4000, $0x38;
	[tilespmem:$0x1A900] =	vst v63  }
0x2f: {  	_ =	swait.ge [sflag:s26], $0x4000  }
0x30: {  	[sflag:s26] =	ssyncset.done $0x0  }
0x31: {  	[sflag:s26] =	ssyncadd.s32 $0xFFFFC000  }
0x32: {  	[spmem:s13] =	stream.linear.scatter [tilespmem:s25], [sflag:$0x2], $0x4000, $0x38;
	[tilespmem:$0x1A900] =	vst v63  }
0x33: {  	_ =	swait.ge [sflag:s26], $0x4000  }
0x34: {  	[sflag:s26] =	ssyncset.done $0x0  }
0x35: {  	[sflag:s26] =	ssyncadd.s32 $0xFFFFC000  }
0x36: {  	s0 =	simm.s32 $0x0;
	[bflag:$0x0] =	sbarrier.arrive $0xFFFF  }
.LBB2_2:
0x37: {  	s3 =	sadd.s32 s0, s24  }
0x38: {  	[tilespmem:s2], [sflag:$0x2] =	stream.linear.gather [hbm4b:s3+s2], $0x80, $0x38;
	[tilespmem:$0x1A900] =	vst v63  }
0x39: {  	_ =	swait.ge [sflag:s26], $0x80  }
0x3a: {  	[sflag:s26] =	ssyncset.done $0x0  }
0x3b: {  	s3 =	sadd.s32 s0, s23;
	[sflag:s26] =	ssyncadd.s32 $0xFFFFFF80  }
0x3c: {  	[tilespmem:s29], [sflag:$0x2] =	stream.linear.gather [hbm4b:s3+s2], $0x80, $0x38;
	[tilespmem:$0x1A900] =	vst v63  }
0x3d: {  	_ =	swait.ge [sflag:s26], $0x80  }
0x3e: {  	[sflag:s26] =	ssyncset.done $0x0  }
0x3f: {  	[sflag:s26] =	ssyncadd.s32 $0xFFFFFF80  }
0x40: {  	[tilespmem:s25], [sflag:$0x1] =	stream.indirect.gather [hbm4b:s4+s29], $0x80, s2, s29, $0xb8;
	[tilespmem:$0x1A900] =	vst v63  }
0x41: {  	_ =	swait.ge [sflag:s30], $0x4000  }
0x42: {  	[sflag:s30] =	ssyncset.done $0x0  }
0x43: {  	[sflag:s30] =	ssyncadd.s32 $0xFFFFC000  }
0x44: {  	[spmem:s1] =	stream.indirect.scatter.add.f32 [tilespmem:s25], [sflag:$0x2], $0x80, s29, s29, $0xb8;
	[tilespmem:$0x1A900] =	vst v63  }
0x45: {  	_ =	swait.ge [sflag:s26], $0x4000  }
0x46: {  	[sflag:s26] =	ssyncset.done $0x0  }
0x47: {  	[sflag:s26] =	ssyncadd.s32 $0xFFFFC000  }
0x48: {  	v1 =	vld [tilespmem:$0x80];
	_ =	sdelay $0x7  }
0x49: {  	[tilespmem:v1+s28+$0x0] =	vst.idx.add.f32.msk $0xffff, v0  }
0x4a: {  	v1 =	vld [tilespmem:$0x90];
	_ =	sdelay $0x7  }
0x4b: {  	[tilespmem:v1+s28+$0x0] =	vst.idx.add.f32.msk $0xffff, v0  }
0x4c: {  	v1 =	vld [tilespmem:$0xA0];
	_ =	sdelay $0x7  }
0x4d: {  	[tilespmem:v1+s28+$0x0] =	vst.idx.add.f32.msk $0xffff, v0  }
0x4e: {  	v1 =	vld [tilespmem:$0xB0];
	_ =	sdelay $0x7  }
0x4f: {  	[tilespmem:v1+s28+$0x0] =	vst.idx.add.f32.msk $0xffff, v0  }
0x50: {  	v1 =	vld [tilespmem:$0xC0];
	_ =	sdelay $0x7  }
0x51: {  	[tilespmem:v1+s28+$0x0] =	vst.idx.add.f32.msk $0xffff, v0  }
0x52: {  	v1 =	vld [tilespmem:$0xD0];
	_ =	sdelay $0x7  }
0x53: {  	[tilespmem:v1+s28+$0x0] =	vst.idx.add.f32.msk $0xffff, v0  }
0x54: {  	v1 =	vld [tilespmem:$0xE0];
	_ =	sdelay $0x7  }
0x55: {  	[tilespmem:v1+s28+$0x0] =	vst.idx.add.f32.msk $0xffff, v0  }
0x56: {  	v1 =	vld [tilespmem:$0xF0];
	_ =	sdelay $0x2  }
0x57: {  	p0 =	sne.s32 s0, $0x4E0  }
.Ltmp0:
0x58: {  	_ = 	snop;
	(pc) =	sbr.rel @p0 .LBB2_2-.Ltmp0, $2  }
0x59: {  	_ =	sdelay $0x2  }
0x5a: {  	s0 =	sadd.s32 $0x10, s0;
	[tilespmem:v1+s28+$0x0] =	vst.idx.add.f32.msk $0xffff, v0  }
0x5b: {  	[bflag:$0x0] =	sbarrier.arrive $0xFFFF  }
0x5c: {  	[tilespmem:s25], [sflag:$0x2] =	stream.linear.gather [spmem:s7], $0x4000, $0x38;
	[tilespmem:$0x1A900] =	vst v63  }
0x5d: {  	_ =	swait.ge [sflag:s26], $0x4000  }
0x5e: {  	[sflag:s26] =	ssyncset.done $0x0  }
0x5f: {  	[sflag:s26] =	ssyncadd.s32 $0xFFFFC000  }
0x60: {  	[hbm4b:s14+s2] =	stream.linear.scatter [tilespmem:s25], [sflag:$0x2], $0x4000, $0x38;
	[tilespmem:$0x1A900] =	vst v63  }
0x61: {  	_ =	swait.ge [sflag:s26], $0x4000  }
0x62: {  	[sflag:s26] =	ssyncset.done $0x0  }
0x63: {  	[sflag:s26] =	ssyncadd.s32 $0xFFFFC000  }
0x64: {  	[tilespmem:s25], [sflag:$0x2] =	stream.linear.gather [spmem:s15], $0x4000, $0x38;
	[tilespmem:$0x1A900] =	vst v63  }
0x65: {  	_ =	swait.ge [sflag:s26], $0x4000  }
0x66: {  	[sflag:s26] =	ssyncset.done $0x0  }
0x67: {  	[sflag:s26] =	ssyncadd.s32 $0xFFFFC000  }
0x68: {  	[hbm4b:s16+s2] =	stream.linear.scatter [tilespmem:s25], [sflag:$0x2], $0x4000, $0x38;
	[tilespmem:$0x1A900] =	vst v63  }
0x69: {  	_ =	swait.ge [sflag:s26], $0x4000  }
0x6a: {  	[sflag:s26] =	ssyncset.done $0x0  }
0x6b: {  	[sflag:s26] =	ssyncadd.s32 $0xFFFFC000  }
0x6c: {  	[tilespmem:s25], [sflag:$0x2] =	stream.linear.gather [spmem:s17], $0x4000, $0x38;
	[tilespmem:$0x1A900] =	vst v63  }
0x6d: {  	_ =	swait.ge [sflag:s26], $0x4000  }
0x6e: {  	[sflag:s26] =	ssyncset.done $0x0  }
0x6f: {  	[sflag:s26] =	ssyncadd.s32 $0xFFFFC000  }
0x70: {  	[hbm4b:s18+s2] =	stream.linear.scatter [tilespmem:s25], [sflag:$0x2], $0x4000, $0x38;
	[tilespmem:$0x1A900] =	vst v63  }
0x71: {  	_ =	swait.ge [sflag:s26], $0x4000  }
0x72: {  	[sflag:s26] =	ssyncset.done $0x0  }
0x73: {  	[sflag:s26] =	ssyncadd.s32 $0xFFFFC000  }
0x74: {  	[tilespmem:s25], [sflag:$0x2] =	stream.linear.gather [spmem:s19], $0x4000, $0x38;
	[tilespmem:$0x1A900] =	vst v63  }
0x75: {  	_ =	swait.ge [sflag:s26], $0x4000  }
0x76: {  	[sflag:s26] =	ssyncset.done $0x0  }
0x77: {  	[sflag:s26] =	ssyncadd.s32 $0xFFFFC000  }
0x78: {  	[hbm4b:s20+s2] =	stream.linear.scatter [tilespmem:s25], [sflag:$0x2], $0x4000, $0x38;
	[tilespmem:$0x1A900] =	vst v63  }
0x79: {  	_ =	swait.ge [sflag:s26], $0x4000  }
0x7a: {  	[sflag:s26] =	ssyncset.done $0x0  }
0x7b: {  	[sflag:s26] =	ssyncadd.s32 $0xFFFFC000  }
0x7c: {  	[tilespmem:s25], [sflag:$0x2] =	stream.linear.gather [spmem:s21], $0x4000, $0x38;
	[tilespmem:$0x1A900] =	vst v63  }
0x7d: {  	_ =	swait.ge [sflag:s26], $0x4000  }
0x7e: {  	[sflag:s26] =	ssyncset.done $0x0  }
0x7f: {  	[sflag:s26] =	ssyncadd.s32 $0xFFFFC000  }
0x80: {  	[hbm4b:s22+s2] =	stream.linear.scatter [tilespmem:s25], [sflag:$0x2], $0x4000, $0x38;
	[tilespmem:$0x1A900] =	vst v63  }
0x81: {  	s31 =	sadd.s32 $0x1, s31;
	_ =	swait.ge [sflag:s26], $0x4000  }
0x82: {  	p0 =	sne.s32 s31, s9;
	[sflag:s26] =	ssyncset.done $0x0  }
.Ltmp1:
0x83: {  	[sflag:s26] =	ssyncadd.s32 $0xFFFFC000;
	(pc) =	sbr.rel @p0 .LBB2_1-.Ltmp1, $4  }
0x84: {  	[hbm4b:s8+s2] =	stream.linear.scatter [tilespmem:s28], [sflag:$0x2], $0x2800, $0x38;
	[tilespmem:$0x1A900] =	vst v63  }
0x85: {  	_ =	swait.ge [sflag:s26], $0x2800  }
0x86: {  	[sflag:s26] =	ssyncset.done $0x0  }
0x87: {  	[sflag:s26] =	ssyncadd.s32 $0xFFFFD800  }
0x88: {  	_ =	sfence.sel $0x180000  }
0x89: {  	[bflag:$0x0] =	sbarrier.arrive $0xFFFF  }
0x8a: {  	_ =	strace $0x90000047  }
0x8b: {  	s0 =	stileid.u32;
	[bflag:$0x2] =	sbarrier.arrive $0xFFFF  }
0x8c: {  	p0 =	sne.s32 s0, $0x0;
	s0 =	rddreg [dreg:$0x3]  }
0x8d: {  	s0 =	sadd.s32 @!p0 $0x100000, s0  }
0x8e: {  	[sflag:s0] =	ssyncadd.tile.s32 @!p0 $0x1;
	_ =	shalt  }
.Lfunc_end2:
_tile_overlayer_lowered:
.L_overlay_start_2:
0x8f: {  	(tag) =	ssettag $0x2  }
0x90: {  	s0 =	rddreg [dreg:$0x0];
	s2 =	stileid.u32  }
0x91: {  	s1 =	rddreg [dreg:$0x1];
	p0 =	sne.s32 s2, $0x0  }
0x92: {  	s3 =	rddreg [dreg:$0x2];
	[bflag:$0x3] =	sbarrier.arrive $0xFFFF;
	s2 =	simm.s32 @!p0 $0x1C02  }
0x93: {  	[timem:s3], [sflag:s2] =	dma.local @!p0 [hbm:s0], s1  }
0x94: {  	s0 =	simm.s32 @!p0 $0x2  }
0x95: {  	_ =	swait.ge @!p0 [sflag:s0], s1  }
0x96: {  	s1 =	ssub.s32 @!p0 $0x0, s1;
	[sflag:s0] =	ssyncset.done @!p0 $0x0  }
0x97: {  	[sflag:s0] =	ssyncadd.s32 @!p0 s1  }
0x98: {  	[bflag:$0x3] =	sbarrier.arrive $0xFFFF  }
0x99: {  	_ =	shalt  }

// kernel: kernel.9.cloned.1.call-start
scs
__scs_entry_jumppad:
0x0: {  	(pc) =	sbr.rel $0x88, $3  }
0x1: {  	(tag) =	ssettag $0x0;
	lr =	simm.s32 $0x1  }
0x2: {  	[smem:$0x3F97] =	sst lr;
	_ =	strace $0xD0000000  }
0x3: {  	_ = 	snop  }
0x4: {  	_ = 	snop  }
0x5: {  	_ = 	snop  }
0x6: {  	_ = 	snop  }
0x7: {  	_ = 	snop  }
__scs_overlays_trampoline_lowered:
0x8: {  	[smem:$0x3FA6] =	sst s0  }
0x9: {  	[smem:$0x3FA7] =	sst s1  }
0xa: {  	[smem:$0x3FA8] =	sst s2  }
0xb: {  	[smem:$0x3FA9] =	sst s3  }
0xc: {  	[smem:$0x3FAA] =	sst s4  }
0xd: {  	[smem:$0x3FAB] =	sst s5  }
0xe: {  	[smem:$0x3FAC] =	sst s6  }
0xf: {  	[smem:$0x3FAD] =	sst s7  }
0x10: {  	[smem:$0x3FAE] =	sst s8  }
0x11: {  	[smem:$0x3FAF] =	sst s9;
	s0 =	simm.s32 @!p0 $0x0  }
0x12: {  	s1 =	sld [smem:$0x3F95];
	s0 =	simm.s32 @p0 $0x1  }
0x13: {  	[smem:$0x3FB0] =	sst s0;
	s0 =	simm.s32 @!p1 $0x0  }
0x14: {  	s2 =	sld [smem:$0x3F94];
	s0 =	simm.s32 @p1 $0x1  }
0x15: {  	[smem:$0x3FB1] =	sst s0;
	s0 =	simm.s32 @!p2 $0x0  }
0x16: {  	s3 =	sld [smem:$0x3FDB];
	s0 =	simm.s32 @p2 $0x1  }
0x17: {  	s4 =	simm.s32 $0x1BF5;
	[smem:$0x3FB3] =	sst s0  }
0x18: {  	s0 =	sld [smem:$0x3F96];
	_ =	swait.ge [sflag:s4], $0x0  }
0x19: {  	s7 =	sld [smem:$0x3F97]  }
0x1a: {  	s8 =	sadd.s32 $0xFFFFE003, lr  }
0x1b: {  	s9 =	sadd.s32 $0xFFFFFEF7, lr;
	s5 =	simm.s32 $0xFFFFFFFF;
	p2 =	slt.u32 s8, $0xFFFFF086  }
0x1c: {  	p1 =	slt.u32 s9, $0xF7A;
	s5 =	simm.s32 @!p2 $0x0  }
0x1d: {  	s5 =	simm.s32 @p1 $0x1;
	p0 =	seq.s32 s7, s2  }
0x1e: {  	s7 =	smul.u32 @!p0 $0xF7A, s2;
	p2 =	seq.s32 @!p0 s5, $0x0  }
0x1f: {  	s9 =	smul.u32 $0xF7A, s1;
	s8 =	simm.s32 @!p0 $0x1BF5;
	p2 =	por !p2, p0  }
0x20: {  	[sflag:s8] =	ssyncset.s32 @!p0 $0xFFFFF086;
	s6 =	sadd.s32 @!p0 s3, s7;
	s7 =	simm.s32 @!p0 $0x108  }
0x21: {  	s3 =	sadd.s32 s3, s9;
	s6 =	sadd.s32 @!p0 $0x88, s6;
	s7 =	simm.s32 @p2 $0x1082  }
0x22: {  	[simem:s7], [sflag:s8] =	dma.local @!p0 [hbm:s6], $0xF7A  }
0x23: {  	s9 =	sor.u32 $0xD0000000, s2;
	s6 =	simm.s32 $0x108;
	_ =	swait.ge @!p0 [sflag:s8], $0x0  }
0x24: {  	s3 =	sadd.s32 $0x88, s3;
	s6 =	simm.s32 @!p1 $0x1082;
	[sflag:s4] =	ssyncset.s32 $0xFFFFF086  }
0x25: {  	[simem:s6], [sflag:s4] =	dma.local [hbm:s3], $0xF7A  }
0x26: {  	[smem:$0x3F97] =	sst s1;
	(tag) =	ssettag s2;
	_ =	strace s9  }
0x27: {  	s1 =	sld [smem:$0x3FA7]  }
0x28: {  	s2 =	sld [smem:$0x3FA8]  }
0x29: {  	s4 =	sld [smem:$0x3FAA]  }
0x2a: {  	p0 =	seq.s32 s5, $0x0;
	s5 =	sld [smem:$0x3FAB]  }
0x2b: {  	s6 =	sld [smem:$0x3FAC]  }
0x2c: {  	s7 =	sld [smem:$0x3FAD]  }
0x2d: {  	s3 =	simm.s32 $0x108;
	s8 =	sld [smem:$0x3FAE]  }
0x2e: {  	s3 =	simm.s32 @!p0 $0x1082;
	s9 =	sld [smem:$0x3FAF]  }
0x2f: {  	lr =	sadd.s32 s0, s3;
	s0 =	sld [smem:$0x3FA6]  }
0x30: {  	s3 =	sld [smem:$0x3FA9]  }
0x31: {  	[smem:$0x3FB2] =	sst s10  }
0x32: {  	s10 =	sld [smem:$0x3FB0];
	_ =	sdelay $0x3  }
0x33: {  	p0 =	seq.s32 s10, $0x1;
	s10 =	sld [smem:$0x3FB2];
	_ =	sdelay $0x3  }
0x34: {  	[smem:$0x3FB2] =	sst s10  }
0x35: {  	s10 =	sld [smem:$0x3FB1];
	_ =	sdelay $0x3  }
0x36: {  	p1 =	seq.s32 s10, $0x1;
	s10 =	sld [smem:$0x3FB2];
	_ =	sdelay $0x3  }
0x37: {  	[smem:$0x3FB2] =	sst s10  }
0x38: {  	s10 =	sld [smem:$0x3FB3]  }
0x39: {  	_ = 	snop;
	(pc) =	sbr.ind lr, $3  }
0x3a: {  	_ = 	snop  }
0x3b: {  	_ = 	snop  }
0x3c: {  	p2 =	seq.s32 s10, $0x1;
	s10 =	sld [smem:$0x3FB2]  }
0x3d: {  	_ =	shalt  }
0x3e: {  	_ =	shalt  }
0x3f: {  	_ =	shalt  }
0x40: {  	_ =	shalt  }
0x41: {  	_ =	shalt  }
0x42: {  	_ =	shalt  }
0x43: {  	_ =	shalt  }
0x44: {  	_ =	shalt  }
0x45: {  	_ =	shalt  }
0x46: {  	_ =	shalt  }
0x47: {  	_ =	shalt  }
0x48: {  	_ =	shalt  }
0x49: {  	_ =	shalt  }
0x4a: {  	_ =	shalt  }
0x4b: {  	_ =	shalt  }
0x4c: {  	_ =	shalt  }
0x4d: {  	_ =	shalt  }
0x4e: {  	_ =	shalt  }
0x4f: {  	_ =	shalt  }
0x50: {  	_ =	shalt  }
0x51: {  	_ =	shalt  }
0x52: {  	_ =	shalt  }
0x53: {  	_ =	shalt  }
0x54: {  	_ =	shalt  }
0x55: {  	_ =	shalt  }
0x56: {  	_ =	shalt  }
0x57: {  	_ =	shalt  }
0x58: {  	_ =	shalt  }
0x59: {  	_ =	shalt  }
0x5a: {  	_ =	shalt  }
0x5b: {  	_ =	shalt  }
0x5c: {  	_ =	shalt  }
0x5d: {  	_ =	shalt  }
0x5e: {  	_ =	shalt  }
0x5f: {  	_ =	shalt  }
0x60: {  	_ =	shalt  }
0x61: {  	_ =	shalt  }
0x62: {  	_ =	shalt  }
0x63: {  	_ =	shalt  }
0x64: {  	_ =	shalt  }
0x65: {  	_ =	shalt  }
0x66: {  	_ =	shalt  }
0x67: {  	_ =	shalt  }
0x68: {  	_ =	shalt  }
0x69: {  	_ =	shalt  }
0x6a: {  	_ =	shalt  }
0x6b: {  	_ =	shalt  }
0x6c: {  	_ =	shalt  }
0x6d: {  	_ =	shalt  }
0x6e: {  	_ =	shalt  }
0x6f: {  	_ =	shalt  }
0x70: {  	_ =	shalt  }
0x71: {  	_ =	shalt  }
0x72: {  	_ =	shalt  }
0x73: {  	_ =	shalt  }
0x74: {  	_ =	shalt  }
0x75: {  	_ =	shalt  }
0x76: {  	_ =	shalt  }
0x77: {  	_ =	shalt  }
0x78: {  	_ =	shalt  }
0x79: {  	_ =	shalt  }
0x7a: {  	_ =	shalt  }
0x7b: {  	_ =	shalt  }
0x7c: {  	_ =	shalt  }
0x7d: {  	_ =	shalt  }
0x7e: {  	_ =	shalt  }
0x7f: {  	_ =	shalt  }
0x80: {  	_ =	shalt  }
0x81: {  	_ =	shalt  }
0x82: {  	_ =	shalt  }
0x83: {  	_ =	shalt  }
0x84: {  	_ =	shalt  }
0x85: {  	_ =	shalt  }
0x86: {  	_ =	shalt  }
0x87: {  	_ =	shalt  }
.Lfunc_end0:
.L_simem_size_0:
called_computation.1_lowered:
.L_overlay_start_0:
0x88: {  	s2 =	sld [smem:$0x3FD9]  }
0x89: {  	s3 =	sld [smem:$0x3FFE];
	_ =	sdelay $0x1  }
0x8a: {  	s1 =	srdreg.scid  }
0x8b: {  	s0 =	sand.u32 $0x1, s1  }
0x8c: {  	s16 =	sshll.u32 s0, $0xA;
	s2 =	sadd.s32 s3, s2  }
0x8d: {  	s2 =	sadd.s32 s2, s16  }
0x8e: {  	[smem:$0x3FBE] =	sst s2  }
0x8f: {  	_ = 	snop  }
0x90: {  	(tm) =	ssettm $0x1  }
0x91: {  	s17 =	sld [smem:$0x3FFB];
	_ =	sdelay $0x3  }
0x92: {  	_ =	strace s17  }
0x93: {  	s2 =	sld [smem:$0x3FFC];
	_ =	sdelay $0x3  }
0x94: {  	_ =	strace s2  }
0x95: {  	s2 =	sld [smem:$0x3FFD];
	_ =	sdelay $0x3  }
0x96: {  	_ =	strace s2  }
0x97: {  	_ =	strace $0x8FFFFFFF  }
0x98: {  	s18 =	sld [smem:$0x3FDB];
	_ =	sdelay $0x1  }
0x99: {  	s19 =	simm.s32 $_scs_section_size  }
0x9a: {  	s4 =	simm.s32 $_size__tile_overlayer_lowered;
	s5 =	simm.s32 $_tile_overlayer_lowered  }
0x9b: {  	s22 =	simm.s32 $0x1BFF;
	s21 =	sshll.u32 s5, $0x1;
	s2 =	sadd.s32 s19, s18  }
0x9c: {  	s6 =	simm.s32 $0x0;
	s20 =	sshll.u32 s4, $0x1;
	s4 =	sadd.s32 s21, s2  }
0x9d: {  	[timem:s6], [sflag:s22] =	dma.local [hbm:s4], s20  }
0x9e: {  	_ =	swait.ge [sflag:s22], s20  }
0x9f: {  	s3 =	ssub.s32 $0x0, s20;
	[sflag:s22] =	ssyncset.done $0x0  }
0xa0: {  	[sflag:s22] =	ssyncadd.s32 s3;
	_ =	sdelay $0x1  }
0xa1: {  	s23 =	simm.s32 $0x1B8B  }
0xa2: {  	_ =	swait.ge [sflag:s23], $0x1  }
0xa3: {  	[sflag:s23] =	ssyncset.done $0x0  }
0xa4: {  	s25 =	simm.s32 $0x1B8E;
	s24 =	sld [smem:$0x3FFE];
	[sflag:s23] =	ssyncadd.s32 $0xFFFFFFFF  }
0xa5: {  	s26 =	simm.s32 $execute0_lowered;
	[smem:$0x3FD2] =	sst s25  }
0xa6: {  	s4 =	sshll.u32 s26, $0x1;
	_ =	strace $0x80000049;
	[dreg:$0x1] =	wrdreg $0xFFFFFFFF  }
0xa7: {  	s28 =	simm.s32 $_size_execute0_lowered;
	s2 =	sadd.s32 s2, s4;
	[dreg:$0x0] =	wrdreg $0x0  }
0xa8: {  	s4 =	sshll.u32 s28, $0x1;
	[dreg:$0x2] =	wrdreg s2  }
0xa9: {  	[dreg:$0x3] =	wrdreg s4  }
0xaa: {  	[dreg:$0x4] =	wrdreg $0xC0  }
0xab: {  	_ =	task [dreg:s6], $0x5FFFF  }
0xac: {  	[dreg:$0x1] =	wrdreg $0xFFFFFFFF  }
0xad: {  	[dreg:$0x0] =	wrdreg $0x60  }
0xae: {  	[dreg:$0x2] =	wrdreg s24  }
0xaf: {  	[dreg:$0x3] =	wrdreg $0x41000  }
0xb0: {  	[dreg:$0x4] =	wrdreg $0x9  }
0xb1: {  	_ =	task.clear_ibuf [dreg:s6], $0x5FFFF;
	_ =	strace $0x90000049  }
0xb2: {  	s29 =	simm.s32 $0x9;
	_ =	strace $0x8000004B  }
0xb3: {  	_ =	swait.ge [sflag:s29], $0x1  }
0xb4: {  	[sflag:s29] =	ssyncadd.s32 $0xFFFFFFFF  }
0xb5: {  	_ =	strace $0x9000004B  }
0xb6: {  	_ =	sfence  }
0xb7: {  	s30 =	sld [smem:$0x0];
	_ =	sdelay $0x2  }
0xb8: {  	s31 =	sshll.u32 s1, $0xD;
	s1 =	sshrl.u32 s1, $0x2  }
0xb9: {  	s3 =	sand.u32 $0x4000, s31;
	s1 =	sadd.s32 s1, s30  }
0xba: {  	s0 =	sor.u32 s3, s0;
	s1 =	sshll.u32 s1, $0x11  }
0xbb: {  	s0 =	sor.u32 s1, s0  }
0xbc: {  	s0 =	sadd.s32 $0x8F2B, s0  }
0xbd: {  	[sflag:s0] =	ssyncadd.remote.s32 $0x1  }
0xbe: {  	_ =	sfence.sel $0xFFFF  }
0xbf: {  	[dreg:$0x0] =	wrdreg $0xFFFFFFFF;
	(pc) =	sbr.abs _section_cstart, $3  }
0xc0: {  	[dreg:$0x1] =	wrdreg $0xFFFFFFFF  }
0xc1: {  	_ =	task.clear_ibuf [dreg:s6], $0x2FFFF;
	_ =	strace $0x9FFFFFFF  }
0xc2: {  	(tm) =	ssettm $0x7FFFFFFF  }
0xc3: {  	_ =	shalt  }
tec
execute0_lowered:
.L_overlay_start_1:
0x0: {  	(tag) =	ssettag $0x1  }
0x1: {  	s7 =	rddreg [dreg:$0x0]  }
0x2: {  	s1 =	rddreg [dreg:$0x1]  }
0x3: {  	s2 =	simm.s32 $0x0;
	s3 =	srdreg.scid;
	s0 =	stileid.u32  }
0x4: {  	s28 =	simm.s32 $0x0;
	[smem:$0x7FF] =	sst s2;
	s6 =	smul.u32 $0x50000, s0  }
0x5: {  	s8 =	sand.u32 $0x1, s3;
	s4 =	sadd.s32 $0x16200, s7;
	s17 =	smul.u32 $0x280, s0  }
0x6: {  	s21 =	sadd.s32 $0x66800, s7;
	s5 =	smul.u32 $0x4F00, s8;
	s9 =	ssub.s32 $0x2, s8  }
0x7: {  	_ =	strace $0x8000004A;
	s20 =	smul.u32 $0x2800, s8;
	s10 =	sshrl.u32 s9, $0x1  }
0x8: {  	s6 =	sshrl.u32 s6, $0x2;
	s13 =	sadd.s32 $0x80, s17;
	s25 =	sadd.s32 $0x100, s17  }
0x9: {  	s29 =	sadd.s32 $0x180, s17;
	s23 =	sadd.s32 $0x200, s17;
	s19 =	sadd.s32 s5, s7  }
0xa: {  	s5 =	sadd.s32 $0x3E200, s7;
	s9 =	ssub.s32 s9, s10;
	s6 =	sadd.s32 s6, s1  }
0xb: {  	s12 =	sadd.s32 s20, s17;
	s14 =	sshll.u32 s13, $0x7;
	s15 =	sadd.s32 s20, s13  }
0xc: {  	s16 =	sshll.u32 s25, $0x7;
	s18 =	sadd.s32 s20, s25;
	s22 =	sshll.u32 s29, $0x7  }
0xd: {  	s30 =	sshll.u32 s23, $0x7;
	s25 =	simm.s32 $0x80;
	s7 =	smax.u32 s9, $0x1  }
0xe: {  	s8 =	sadd.s32 $0x4000, s6;
	s9 =	sadd.s32 $0x8000, s6;
	s10 =	sadd.s32 $0xC000, s6  }
0xf: {  	s11 =	sadd.s32 $0x10000, s6;
	s12 =	sshll.u32 s12, $0x4;
	s13 =	sadd.s32 s14, s1  }
0x10: {  	s24 =	sshll.u32 s15, $0x4;
	s15 =	sadd.s32 s16, s1;
	s26 =	sshll.u32 s18, $0x4  }
0x11: {  	s18 =	sadd.s32 s20, s29;
	s17 =	sadd.s32 s22, s1;
	s20 =	sadd.s32 s20, s23  }
0x12: {  	s23 =	simm.s32 $0x100;
	s12 =	sadd.s32 s21, s12;
	s14 =	sadd.s32 s21, s24  }
0x13: {  	s16 =	sadd.s32 s21, s26;
	s18 =	sshll.u32 s18, $0x4;
	s24 =	smul.u32 $0x4F0, s0  }
0x14: {  	s20 =	sshll.u32 s20, $0x4;
	s26 =	simm.s32 $0x1;
	s18 =	sadd.s32 s21, s18  }
0x15: {  	s20 =	sadd.s32 s21, s20;
	s31 =	sadd.s32 s24, s19;
	s19 =	sadd.s32 s30, s1  }
0x16: {  	s24 =	simm.s32 $0x2;
	s21 =	sadd.s32 $0xC400, s31;
	s22 =	sadd.s32 $0x2600, s31  }
.LBB2_1:
0x17: {  	[tilespmem:s23], [sflag:$0x2] =	stream.linear.gather [hbm4b:s5+s2], $0x4000, $0x38;
	[tilespmem:$0x18100] =	vst v63  }
0x18: {  	_ =	swait.ge [sflag:s24], $0x4000  }
0x19: {  	[sflag:s24] =	ssyncset.done $0x0  }
0x1a: {  	[sflag:s24] =	ssyncadd.s32 $0xFFFFC000  }
0x1b: {  	[spmem:s6] =	stream.linear.scatter [tilespmem:s23], [sflag:$0x2], $0x4000, $0x38;
	[tilespmem:$0x18100] =	vst v63  }
0x1c: {  	_ =	swait.ge [sflag:s24], $0x4000  }
0x1d: {  	[sflag:s24] =	ssyncset.done $0x0  }
0x1e: {  	[sflag:s24] =	ssyncadd.s32 $0xFFFFC000  }
0x1f: {  	[spmem:s8] =	stream.linear.scatter [tilespmem:s23], [sflag:$0x2], $0x4000, $0x38;
	[tilespmem:$0x18100] =	vst v63  }
0x20: {  	_ =	swait.ge [sflag:s24], $0x4000  }
0x21: {  	[sflag:s24] =	ssyncset.done $0x0  }
0x22: {  	[sflag:s24] =	ssyncadd.s32 $0xFFFFC000  }
0x23: {  	[spmem:s9] =	stream.linear.scatter [tilespmem:s23], [sflag:$0x2], $0x4000, $0x38;
	[tilespmem:$0x18100] =	vst v63  }
0x24: {  	_ =	swait.ge [sflag:s24], $0x4000  }
0x25: {  	[sflag:s24] =	ssyncset.done $0x0  }
0x26: {  	[sflag:s24] =	ssyncadd.s32 $0xFFFFC000  }
0x27: {  	[spmem:s10] =	stream.linear.scatter [tilespmem:s23], [sflag:$0x2], $0x4000, $0x38;
	[tilespmem:$0x18100] =	vst v63  }
0x28: {  	_ =	swait.ge [sflag:s24], $0x4000  }
0x29: {  	[sflag:s24] =	ssyncset.done $0x0  }
0x2a: {  	[sflag:s24] =	ssyncadd.s32 $0xFFFFC000  }
0x2b: {  	[spmem:s11] =	stream.linear.scatter [tilespmem:s23], [sflag:$0x2], $0x4000, $0x38;
	[tilespmem:$0x18100] =	vst v63  }
0x2c: {  	_ =	swait.ge [sflag:s24], $0x4000  }
0x2d: {  	[sflag:s24] =	ssyncset.done $0x0  }
0x2e: {  	[sflag:s24] =	ssyncadd.s32 $0xFFFFC000  }
0x2f: {  	s29 =	sadd.s32 $0x0, s22;
	[bflag:$0x0] =	sbarrier.arrive $0xFFFF  }
0x30: {  	[tilespmem:s2], [sflag:$0x2] =	stream.linear.gather [hbm4b:s29+s2], $0x80, $0x38;
	[tilespmem:$0x18100] =	vst v63  }
0x31: {  	_ =	swait.ge [sflag:s24], $0x80  }
0x32: {  	[sflag:s24] =	ssyncset.done $0x0  }
0x33: {  	s29 =	sadd.s32 $0x0, s21;
	[sflag:s24] =	ssyncadd.s32 $0xFFFFFF80  }
0x34: {  	[tilespmem:s25], [sflag:$0x2] =	stream.linear.gather [hbm4b:s29+s2], $0x80, $0x38;
	[tilespmem:$0x18100] =	vst v63  }
0x35: {  	_ =	swait.ge [sflag:s24], $0x80  }
0x36: {  	[sflag:s24] =	ssyncset.done $0x0  }
0x37: {  	[sflag:s24] =	ssyncadd.s32 $0xFFFFFF80  }
0x38: {  	[tilespmem:s23], [sflag:$0x1] =	stream.indirect.gather [hbm4b:s4+s25], $0x80, s2, s25, $0xb8;
	[tilespmem:$0x18100] =	vst v63  }
0x39: {  	_ =	swait.ge [sflag:s26], $0x4000  }
0x3a: {  	[sflag:s26] =	ssyncset.done $0x0  }
0x3b: {  	[sflag:s26] =	ssyncadd.s32 $0xFFFFC000  }
0x3c: {  	[spmem:s1] =	stream.indirect.scatter.add.f32 [tilespmem:s23], [sflag:$0x2], $0x80, s25, s25, $0xb8;
	[tilespmem:$0x18100] =	vst v63  }
0x3d: {  	_ =	swait.ge [sflag:s24], $0x4000  }
0x3e: {  	s30 =	simm.s32 $0x20;
	s29 =	simm.s32 $0x10;
	[sflag:s24] =	ssyncset.done $0x0  }
.LBB2_2:
0x3f: {  	s31 =	sadd.s32 s29, s22  }
0x40: {  	[sflag:s24] =	ssyncadd.s32 $0xFFFFC000;
	s0 =	smov.u32 s30;
	s3 =	sadd.s32 $0x10, s30  }
0x41: {  	[tilespmem:s2], [sflag:$0x2] =	stream.linear.gather [hbm4b:s31+s2], $0x80, $0x38;
	[tilespmem:$0x18100] =	vst v63  }
0x42: {  	p0 =	sne.s32 s30, $0x4E0;
	_ =	swait.ge [sflag:s24], $0x80  }
0x43: {  	[sflag:s24] =	ssyncset.done $0x0  }
0x44: {  	s30 =	sadd.s32 s29, s21;
	s29 =	smov.u32 s0;
	[sflag:s24] =	ssyncadd.s32 $0xFFFFFF80  }
0x45: {  	[tilespmem:s25], [sflag:$0x2] =	stream.linear.gather [hbm4b:s30+s2], $0x80, $0x38;
	[tilespmem:$0x18100] =	vst v63  }
0x46: {  	_ =	swait.ge [sflag:s24], $0x80  }
0x47: {  	[sflag:s24] =	ssyncset.done $0x0  }
0x48: {  	[sflag:s24] =	ssyncadd.s32 $0xFFFFFF80  }
0x49: {  	[tilespmem:s23], [sflag:$0x1] =	stream.indirect.gather [hbm4b:s4+s25], $0x80, s2, s25, $0xb8;
	[tilespmem:$0x18100] =	vst v63  }
0x4a: {  	_ =	swait.ge [sflag:s26], $0x4000  }
.Ltmp0:
0x4b: {  	[sflag:s26] =	ssyncset.done $0x0;
	(pc) =	sbr.rel @p0 .LBB2_2-.Ltmp0, $4  }
0x4c: {  	[sflag:s26] =	ssyncadd.s32 $0xFFFFC000  }
0x4d: {  	[spmem:s1] =	stream.indirect.scatter.add.f32 [tilespmem:s23], [sflag:$0x2], $0x80, s25, s25, $0xb8;
	[tilespmem:$0x18100] =	vst v63  }
0x4e: {  	_ =	swait.ge [sflag:s24], $0x4000  }
0x4f: {  	s30 =	smov.u32 s3;
	[sflag:s24] =	ssyncset.done $0x0  }
0x50: {  	s0 =	sadd.s32 s29, s22;
	[sflag:s24] =	ssyncadd.s32 $0xFFFFC000  }
0x51: {  	[tilespmem:s2], [sflag:$0x2] =	stream.linear.gather [hbm4b:s0+s2], $0x80, $0x38;
	[tilespmem:$0x18100] =	vst v63  }
0x52: {  	_ =	swait.ge [sflag:s24], $0x80  }
0x53: {  	[sflag:s24] =	ssyncset.done $0x0  }
0x54: {  	s31 =	sadd.s32 s29, s21;
	[sflag:s24] =	ssyncadd.s32 $0xFFFFFF80  }
0x55: {  	[tilespmem:s25], [sflag:$0x2] =	stream.linear.gather [hbm4b:s31+s2], $0x80, $0x38;
	[tilespmem:$0x18100] =	vst v63  }
0x56: {  	_ =	swait.ge [sflag:s24], $0x80  }
0x57: {  	[sflag:s24] =	ssyncset.done $0x0  }
0x58: {  	[sflag:s24] =	ssyncadd.s32 $0xFFFFFF80  }
0x59: {  	[tilespmem:s23], [sflag:$0x1] =	stream.indirect.gather [hbm4b:s4+s25], $0x80, s2, s25, $0xb8;
	[tilespmem:$0x18100] =	vst v63  }
0x5a: {  	_ =	swait.ge [sflag:s26], $0x4000  }
0x5b: {  	[sflag:s26] =	ssyncset.done $0x0  }
0x5c: {  	[sflag:s26] =	ssyncadd.s32 $0xFFFFC000  }
0x5d: {  	[spmem:s1] =	stream.indirect.scatter.add.f32 [tilespmem:s23], [sflag:$0x2], $0x80, s25, s25, $0xb8;
	[tilespmem:$0x18100] =	vst v63  }
0x5e: {  	_ =	swait.ge [sflag:s24], $0x4000  }
0x5f: {  	[sflag:s24] =	ssyncset.done $0x0  }
0x60: {  	[sflag:s24] =	ssyncadd.s32 $0xFFFFC000  }
0x61: {  	[bflag:$0x0] =	sbarrier.arrive $0xFFFF  }
0x62: {  	[tilespmem:s23], [sflag:$0x2] =	stream.linear.gather [spmem:s6], $0x4000, $0x38;
	[tilespmem:$0x18100] =	vst v63  }
0x63: {  	_ =	swait.ge [sflag:s24], $0x4000  }
0x64: {  	[sflag:s24] =	ssyncset.done $0x0  }
0x65: {  	[sflag:s24] =	ssyncadd.s32 $0xFFFFC000  }
0x66: {  	[hbm4b:s12+s2] =	stream.linear.scatter [tilespmem:s23], [sflag:$0x2], $0x4000, $0x38;
	[tilespmem:$0x18100] =	vst v63  }
0x67: {  	_ =	swait.ge [sflag:s24], $0x4000  }
0x68: {  	[sflag:s24] =	ssyncset.done $0x0  }
0x69: {  	[sflag:s24] =	ssyncadd.s32 $0xFFFFC000  }
0x6a: {  	[tilespmem:s23], [sflag:$0x2] =	stream.linear.gather [spmem:s13], $0x4000, $0x38;
	[tilespmem:$0x18100] =	vst v63  }
0x6b: {  	_ =	swait.ge [sflag:s24], $0x4000  }
0x6c: {  	[sflag:s24] =	ssyncset.done $0x0  }
0x6d: {  	[sflag:s24] =	ssyncadd.s32 $0xFFFFC000  }
0x6e: {  	[hbm4b:s14+s2] =	stream.linear.scatter [tilespmem:s23], [sflag:$0x2], $0x4000, $0x38;
	[tilespmem:$0x18100] =	vst v63  }
0x6f: {  	_ =	swait.ge [sflag:s24], $0x4000  }
0x70: {  	[sflag:s24] =	ssyncset.done $0x0  }
0x71: {  	[sflag:s24] =	ssyncadd.s32 $0xFFFFC000  }
0x72: {  	[tilespmem:s23], [sflag:$0x2] =	stream.linear.gather [spmem:s15], $0x4000, $0x38;
	[tilespmem:$0x18100] =	vst v63  }
0x73: {  	_ =	swait.ge [sflag:s24], $0x4000  }
0x74: {  	[sflag:s24] =	ssyncset.done $0x0  }
0x75: {  	[sflag:s24] =	ssyncadd.s32 $0xFFFFC000  }
0x76: {  	[hbm4b:s16+s2] =	stream.linear.scatter [tilespmem:s23], [sflag:$0x2], $0x4000, $0x38;
	[tilespmem:$0x18100] =	vst v63  }
0x77: {  	_ =	swait.ge [sflag:s24], $0x4000  }
0x78: {  	[sflag:s24] =	ssyncset.done $0x0  }
0x79: {  	[sflag:s24] =	ssyncadd.s32 $0xFFFFC000  }
0x7a: {  	[tilespmem:s23], [sflag:$0x2] =	stream.linear.gather [spmem:s17], $0x4000, $0x38;
	[tilespmem:$0x18100] =	vst v63  }
0x7b: {  	_ =	swait.ge [sflag:s24], $0x4000  }
0x7c: {  	[sflag:s24] =	ssyncset.done $0x0  }
0x7d: {  	[sflag:s24] =	ssyncadd.s32 $0xFFFFC000  }
0x7e: {  	[hbm4b:s18+s2] =	stream.linear.scatter [tilespmem:s23], [sflag:$0x2], $0x4000, $0x38;
	[tilespmem:$0x18100] =	vst v63  }
0x7f: {  	_ =	swait.ge [sflag:s24], $0x4000  }
0x80: {  	[sflag:s24] =	ssyncset.done $0x0  }
0x81: {  	[sflag:s24] =	ssyncadd.s32 $0xFFFFC000  }
0x82: {  	[tilespmem:s23], [sflag:$0x2] =	stream.linear.gather [spmem:s19], $0x4000, $0x38;
	[tilespmem:$0x18100] =	vst v63  }
0x83: {  	s28 =	sadd.s32 $0x1, s28;
	_ =	swait.ge [sflag:s24], $0x4000  }
0x84: {  	p0 =	sne.s32 s28, s7;
	[sflag:s24] =	ssyncset.done $0x0  }
.Ltmp1:
0x85: {  	[sflag:s24] =	ssyncadd.s32 $0xFFFFC000;
	(pc) =	sbr.rel @p0 .LBB2_1-.Ltmp1, $4  }
0x86: {  	[hbm4b:s20+s2] =	stream.linear.scatter [tilespmem:s23], [sflag:$0x2], $0x4000, $0x38;
	[tilespmem:$0x18100] =	vst v63  }
0x87: {  	_ =	swait.ge [sflag:s24], $0x4000  }
0x88: {  	[sflag:s24] =	ssyncset.done $0x0  }
0x89: {  	[sflag:s24] =	ssyncadd.s32 $0xFFFFC000  }
0x8a: {  	_ =	sfence.sel $0x180000  }
0x8b: {  	[bflag:$0x0] =	sbarrier.arrive $0xFFFF  }
0x8c: {  	_ =	strace $0x9000004A  }
0x8d: {  	s0 =	stileid.u32;
	[bflag:$0x2] =	sbarrier.arrive $0xFFFF  }
0x8e: {  	p0 =	sne.s32 s0, $0x0;
	s0 =	rddreg [dreg:$0x2]  }
0x8f: {  	s0 =	sadd.s32 @!p0 $0x100000, s0  }
0x90: {  	[sflag:s0] =	ssyncadd.tile.s32 @!p0 $0x1;
	_ =	shalt  }
.Lfunc_end2:
_tile_overlayer_lowered:
.L_overlay_start_2:
0x91: {  	(tag) =	ssettag $0x2  }
0x92: {  	s0 =	rddreg [dreg:$0x0];
	s2 =	stileid.u32  }
0x93: {  	s1 =	rddreg [dreg:$0x1];
	p0 =	sne.s32 s2, $0x0  }
0x94: {  	s3 =	rddreg [dreg:$0x2];
	[bflag:$0x3] =	sbarrier.arrive $0xFFFF;
	s2 =	simm.s32 @!p0 $0x1C02  }
0x95: {  	[timem:s3], [sflag:s2] =	dma.local @!p0 [hbm:s0], s1  }
0x96: {  	s0 =	simm.s32 @!p0 $0x2  }
0x97: {  	_ =	swait.ge @!p0 [sflag:s0], s1  }
0x98: {  	s1 =	ssub.s32 @!p0 $0x0, s1;
	[sflag:s0] =	ssyncset.done @!p0 $0x0  }
0x99: {  	[sflag:s0] =	ssyncadd.s32 @!p0 s1  }
0x9a: {  	[bflag:$0x3] =	sbarrier.arrive $0xFFFF  }
0x9b: {  	_ =	shalt  }

</sc_bundles>
